<compile_context>
chip_gen: v7x
topology: tpu7x:2x2x1
jax: 0.10.2.dev20260603
libtpu: 0.0.44.dev20260713+nightly
codegen_flags: <defaults>
</compile_context>

<pallas_src>
import functools

import jax
import jax.numpy as jnp
from jax import lax
from jax.experimental import pallas as pl
from jax.experimental.pallas import tpu as pltpu
from jax.experimental.pallas import tpu_sc as plsc

SCALE = 8.0

_NC = 2
_NS = 16
_NW = _NC * _NS
L = 16


@functools.lru_cache(maxsize=None)
def _make_widen(V, D):
    BLK = 16384

    def body(tT_ref, w_ref):
        v = jnp.transpose(tT_ref[...]) * SCALE
        w_ref[:, 0:D] = v

    return pl.pallas_call(
        body,
        grid=(pl.cdiv(V, BLK),),
        in_specs=[pl.BlockSpec((D, BLK), lambda i: (0, i))],
        out_specs=pl.BlockSpec((BLK, 2 * D), lambda i: (i, 0)),
        out_shape=jax.ShapeDtypeStruct((V, 2 * D), jnp.float32),
    )


@functools.lru_cache(maxsize=None)
def _make_gather(R, T, V, D):
    r_per_w = R // _NW
    NBUF = 4
    NIB = 8
    assert r_per_w % NIB == 0
    n_outer = r_per_w // NIB
    mesh = plsc.VectorSubcoreMesh(core_axis_name="c", subcore_axis_name="s")

    @functools.partial(
        pl.kernel,
        mesh=mesh,
        compiler_params=pltpu.CompilerParams(use_tc_tiling_on_sc=True),
        out_type=jax.ShapeDtypeStruct((R, T, 2 * D), jnp.float32),
        scratch_types=[
            tuple(pltpu.VMEM((T,), jnp.int32) for _ in range(NIB)),
            tuple(pltpu.VMEM((T, 2 * D), jnp.float32) for _ in range(NBUF)),
            tuple(pltpu.SemaphoreType.DMA for _ in range(NIB)),
            tuple(pltpu.SemaphoreType.DMA for _ in range(NBUF)),
            tuple(pltpu.SemaphoreType.DMA for _ in range(NBUF)),
        ],
    )
    def gather(xf_hbm, wide_hbm, out_hbm, idx_bufs, gbufs,
               isems, gsems, ssems):
        wid = lax.axis_index("s") * _NC + lax.axis_index("c")
        xr0 = wid * r_per_w

        def idx_start(c, q):
            pltpu.make_async_copy(
                xf_hbm.at[pl.ds((xr0 + c) * T, T)], idx_bufs[q], isems[q]
            ).start()

        def idx_wait(q):
            pltpu.make_async_copy(
                xf_hbm.at[pl.ds(xr0 * T, T)], idx_bufs[q], isems[q]
            ).wait()

        def gather_start(q, b):
            pltpu.make_async_copy(
                wide_hbm.at[idx_bufs[q]], gbufs[b], gsems[b]
            ).start()

        def gather_wait(q, b):
            pltpu.make_async_copy(
                wide_hbm.at[idx_bufs[q]], gbufs[b], gsems[b]
            ).wait()

        def store_start(c, b):
            pltpu.make_async_copy(
                gbufs[b], out_hbm.at[xr0 + c], ssems[b]
            ).start()

        def store_wait(b):
            pltpu.make_async_copy(
                gbufs[b], out_hbm.at[xr0], ssems[b]
            ).wait()

        for q in range(NIB):
            idx_start(q, q)
        for c in range(NBUF):
            idx_wait(c)
            gather_start(c, c)

        def outer(i, carry):
            for k in range(NIB):
                c = i * NIB + k
                q = k
                b = k % NBUF

                gather_wait(q, b)
                store_start(c, b)

                @pl.when(c + NIB < r_per_w)
                def _():
                    idx_start(c + NIB, q)

                @pl.when(c + NBUF < r_per_w)
                def _():
                    store_wait(b)
                    idx_wait((q + NBUF) % NIB)
                    gather_start((q + NBUF) % NIB, b)

            return carry

        lax.fori_loop(0, n_outer, outer, 0)

        for b in range(NBUF):
            store_wait(b)

    return gather


def kernel(x, table):
    R, T = x.shape
    V, D = table.shape
    xf = x.reshape(R * T)
    wide = _make_widen(V, D)(table.T)
    out128 = _make_gather(R, T, V, D)(xf, wide)
    return out128[:, :, :D]

# --- scband reference (transcript-rebuilt; emitter-appended) ---
"""Pipeline reference for scband-embeddings-12146167513272 (READ-ONLY COPY).

The authoritative reference and input builder live on the scoring server;
editing this copy changes nothing except your own understanding.
"""

import jax, jax.numpy as jnp
import numpy as np

VOCAB = 1000000
D_MODEL = 64

def setup_inputs(seed: int = 0) -> dict:
    key = jax.random.key(seed)
    k1, k2 = jax.random.split(key)
    x = jax.random.randint(k1, (4096, 200), 0, VOCAB, dtype=jnp.int64 if jax.config.jax_enable_x64 else jnp.int32)
    table = jax.random.normal(k2, (VOCAB, D_MODEL), dtype=jnp.float32) * 0.02
    return {"x": x, "table": table}

def reference(x, table):
    # Embeddings.call: lut(x) * sqrt(d_model)
    emb = jnp.take(table, x, axis=0)
    return emb * jnp.sqrt(jnp.float32(D_MODEL))

if __name__ == "__main__":
    import jax
    _d = setup_inputs()
    print(jax.jit(kernel)(*tuple(_d.values())))

</pallas_src>

<mosaic_0001>
#map = affine_map<(d0, d1) -> (0)>
#map1 = affine_map<(d0, d1) -> (0, 0)>
#map2 = affine_map<(d0, d1) -> (0, 0, 0)>
module attributes {stable_mosaic.version = 14 : i64} {
  func.func @gather(%arg0: i32, %arg1: i32, %arg2: memref<819200xi32, #tpu.memory_space<hbm>>, %arg3: memref<1000000x128xf32, #tpu.memory_space<hbm>>, %arg4: memref<4096x200x128xf32, #tpu.memory_space<hbm>>, %arg5: memref<200xi32, #tpu.memory_space<vmem>>, %arg6: memref<200xi32, #tpu.memory_space<vmem>>, %arg7: memref<200xi32, #tpu.memory_space<vmem>>, %arg8: memref<200xi32, #tpu.memory_space<vmem>>, %arg9: memref<200xi32, #tpu.memory_space<vmem>>, %arg10: memref<200xi32, #tpu.memory_space<vmem>>, %arg11: memref<200xi32, #tpu.memory_space<vmem>>, %arg12: memref<200xi32, #tpu.memory_space<vmem>>, %arg13: memref<200x128xf32, #tpu.memory_space<vmem>>, %arg14: memref<200x128xf32, #tpu.memory_space<vmem>>, %arg15: memref<200x128xf32, #tpu.memory_space<vmem>>, %arg16: memref<200x128xf32, #tpu.memory_space<vmem>>, %arg17: memref<!tpu.dma_semaphore, #tpu.memory_space<semaphore_mem>>, %arg18: memref<!tpu.dma_semaphore, #tpu.memory_space<semaphore_mem>>, %arg19: memref<!tpu.dma_semaphore, #tpu.memory_space<semaphore_mem>>, %arg20: memref<!tpu.dma_semaphore, #tpu.memory_space<semaphore_mem>>, %arg21: memref<!tpu.dma_semaphore, #tpu.memory_space<semaphore_mem>>, %arg22: memref<!tpu.dma_semaphore, #tpu.memory_space<semaphore_mem>>, %arg23: memref<!tpu.dma_semaphore, #tpu.memory_space<semaphore_mem>>, %arg24: memref<!tpu.dma_semaphore, #tpu.memory_space<semaphore_mem>>, %arg25: memref<!tpu.dma_semaphore, #tpu.memory_space<semaphore_mem>>, %arg26: memref<!tpu.dma_semaphore, #tpu.memory_space<semaphore_mem>>, %arg27: memref<!tpu.dma_semaphore, #tpu.memory_space<semaphore_mem>>, %arg28: memref<!tpu.dma_semaphore, #tpu.memory_space<semaphore_mem>>, %arg29: memref<!tpu.dma_semaphore, #tpu.memory_space<semaphore_mem>>, %arg30: memref<!tpu.dma_semaphore, #tpu.memory_space<semaphore_mem>>, %arg31: memref<!tpu.dma_semaphore, #tpu.memory_space<semaphore_mem>>, %arg32: memref<!tpu.dma_semaphore, #tpu.memory_space<semaphore_mem>>) attributes {dimension_semantics = [#tpu.dimension_semantics<core_parallel>, #tpu.dimension_semantics<subcore_parallel>], iteration_bounds = array<i64: 2, 16>, scalar_prefetch = 0 : i64, scratch_operands = 28 : i64, tpu.core_type = #tpu.core_type<sc_vector_subcore>, window_params = [{transform_indices = #map}, {transform_indices = #map1}, {transform_indices = #map2}]} {
    %mul3A = arith.constant 2 : i32
    %mul3A_0 = arith.muli %arg1, %mul3A : i32
    %add3A = arith.addi %mul3A_0, %arg0 : i32
    %mul3A_1 = arith.constant 128 : i32
    %mul3A_2 = arith.muli %add3A, %mul3A_1 : i32
    %add3A_3 = arith.constant 0 : i32
    %add3A_4 = arith.addi %mul3A_2, %add3A_3 : i32
    %mul3A_5 = arith.constant 200 : i32
    %mul3A_6 = arith.muli %add3A_4, %mul3A_5 : i32
    %dma_start3A = tpu.memref_slice %arg2[%mul3A_6] : memref<819200xi32, #tpu.memory_space<hbm>> -> memref<200xi32, #tpu.memory_space<hbm>>
    %dma_start3A_7 = tpu.memref_slice %arg2[%mul3A_6] : memref<819200xi32, #tpu.memory_space<hbm>> -> memref<200xi32, #tpu.memory_space<hbm>>
    tpu.enqueue_dma source(%dma_start3A_7 : memref<200xi32, #tpu.memory_space<hbm>>) target(%arg5 : memref<200xi32, #tpu.memory_space<vmem>>) target_semaphore(%arg17 : memref<!tpu.dma_semaphore, #tpu.memory_space<semaphore_mem>>)
    %add3A_8 = arith.constant 1 : i32
    %add3A_9 = arith.addi %mul3A_2, %add3A_8 : i32
    %mul3A_10 = arith.constant 200 : i32
    %mul3A_11 = arith.muli %add3A_9, %mul3A_10 : i32
    %dma_start3A_12 = tpu.memref_slice %arg2[%mul3A_11] : memref<819200xi32, #tpu.memory_space<hbm>> -> memref<200xi32, #tpu.memory_space<hbm>>
    %dma_start3A_13 = tpu.memref_slice %arg2[%mul3A_11] : memref<819200xi32, #tpu.memory_space<hbm>> -> memref<200xi32, #tpu.memory_space<hbm>>
    tpu.enqueue_dma source(%dma_start3A_13 : memref<200xi32, #tpu.memory_space<hbm>>) target(%arg6 : memref<200xi32, #tpu.memory_space<vmem>>) target_semaphore(%arg18 : memref<!tpu.dma_semaphore, #tpu.memory_space<semaphore_mem>>)
    %add3A_14 = arith.constant 2 : i32
    %add3A_15 = arith.addi %mul3A_2, %add3A_14 : i32
    %mul3A_16 = arith.constant 200 : i32
    %mul3A_17 = arith.muli %add3A_15, %mul3A_16 : i32
    %dma_start3A_18 = tpu.memref_slice %arg2[%mul3A_17] : memref<819200xi32, #tpu.memory_space<hbm>> -> memref<200xi32, #tpu.memory_space<hbm>>
    %dma_start3A_19 = tpu.memref_slice %arg2[%mul3A_17] : memref<819200xi32, #tpu.memory_space<hbm>> -> memref<200xi32, #tpu.memory_space<hbm>>
    tpu.enqueue_dma source(%dma_start3A_19 : memref<200xi32, #tpu.memory_space<hbm>>) target(%arg7 : memref<200xi32, #tpu.memory_space<vmem>>) target_semaphore(%arg19 : memref<!tpu.dma_semaphore, #tpu.memory_space<semaphore_mem>>)
    %add3A_20 = arith.constant 3 : i32
    %add3A_21 = arith.addi %mul3A_2, %add3A_20 : i32
    %mul3A_22 = arith.constant 200 : i32
    %mul3A_23 = arith.muli %add3A_21, %mul3A_22 : i32
    %dma_start3A_24 = tpu.memref_slice %arg2[%mul3A_23] : memref<819200xi32, #tpu.memory_space<hbm>> -> memref<200xi32, #tpu.memory_space<hbm>>
    %dma_start3A_25 = tpu.memref_slice %arg2[%mul3A_23] : memref<819200xi32, #tpu.memory_space<hbm>> -> memref<200xi32, #tpu.memory_space<hbm>>
    tpu.enqueue_dma source(%dma_start3A_25 : memref<200xi32, #tpu.memory_space<hbm>>) target(%arg8 : memref<200xi32, #tpu.memory_space<vmem>>) target_semaphore(%arg20 : memref<!tpu.dma_semaphore, #tpu.memory_space<semaphore_mem>>)
    %add3A_26 = arith.constant 4 : i32
    %add3A_27 = arith.addi %mul3A_2, %add3A_26 : i32
    %mul3A_28 = arith.constant 200 : i32
    %mul3A_29 = arith.muli %add3A_27, %mul3A_28 : i32
    %dma_start3A_30 = tpu.memref_slice %arg2[%mul3A_29] : memref<819200xi32, #tpu.memory_space<hbm>> -> memref<200xi32, #tpu.memory_space<hbm>>
    %dma_start3A_31 = tpu.memref_slice %arg2[%mul3A_29] : memref<819200xi32, #tpu.memory_space<hbm>> -> memref<200xi32, #tpu.memory_space<hbm>>
    tpu.enqueue_dma source(%dma_start3A_31 : memref<200xi32, #tpu.memory_space<hbm>>) target(%arg9 : memref<200xi32, #tpu.memory_space<vmem>>) target_semaphore(%arg21 : memref<!tpu.dma_semaphore, #tpu.memory_space<semaphore_mem>>)
    %add3A_32 = arith.constant 5 : i32
    %add3A_33 = arith.addi %mul3A_2, %add3A_32 : i32
    %mul3A_34 = arith.constant 200 : i32
    %mul3A_35 = arith.muli %add3A_33, %mul3A_34 : i32
    %dma_start3A_36 = tpu.memref_slice %arg2[%mul3A_35] : memref<819200xi32, #tpu.memory_space<hbm>> -> memref<200xi32, #tpu.memory_space<hbm>>
    %dma_start3A_37 = tpu.memref_slice %arg2[%mul3A_35] : memref<819200xi32, #tpu.memory_space<hbm>> -> memref<200xi32, #tpu.memory_space<hbm>>
    tpu.enqueue_dma source(%dma_start3A_37 : memref<200xi32, #tpu.memory_space<hbm>>) target(%arg10 : memref<200xi32, #tpu.memory_space<vmem>>) target_semaphore(%arg22 : memref<!tpu.dma_semaphore, #tpu.memory_space<semaphore_mem>>)
    %add3A_38 = arith.constant 6 : i32
    %add3A_39 = arith.addi %mul3A_2, %add3A_38 : i32
    %mul3A_40 = arith.constant 200 : i32
    %mul3A_41 = arith.muli %add3A_39, %mul3A_40 : i32
    %dma_start3A_42 = tpu.memref_slice %arg2[%mul3A_41] : memref<819200xi32, #tpu.memory_space<hbm>> -> memref<200xi32, #tpu.memory_space<hbm>>
    %dma_start3A_43 = tpu.memref_slice %arg2[%mul3A_41] : memref<819200xi32, #tpu.memory_space<hbm>> -> memref<200xi32, #tpu.memory_space<hbm>>
    tpu.enqueue_dma source(%dma_start3A_43 : memref<200xi32, #tpu.memory_space<hbm>>) target(%arg11 : memref<200xi32, #tpu.memory_space<vmem>>) target_semaphore(%arg23 : memref<!tpu.dma_semaphore, #tpu.memory_space<semaphore_mem>>)
    %add3A_44 = arith.constant 7 : i32
    %add3A_45 = arith.addi %mul3A_2, %add3A_44 : i32
    %mul3A_46 = arith.constant 200 : i32
    %mul3A_47 = arith.muli %add3A_45, %mul3A_46 : i32
    %dma_start3A_48 = tpu.memref_slice %arg2[%mul3A_47] : memref<819200xi32, #tpu.memory_space<hbm>> -> memref<200xi32, #tpu.memory_space<hbm>>
    %dma_start3A_49 = tpu.memref_slice %arg2[%mul3A_47] : memref<819200xi32, #tpu.memory_space<hbm>> -> memref<200xi32, #tpu.memory_space<hbm>>
    tpu.enqueue_dma source(%dma_start3A_49 : memref<200xi32, #tpu.memory_space<hbm>>) target(%arg12 : memref<200xi32, #tpu.memory_space<vmem>>) target_semaphore(%arg24 : memref<!tpu.dma_semaphore, #tpu.memory_space<semaphore_mem>>)
    %mul3A_50 = arith.constant 200 : i32
    %mul3A_51 = arith.muli %mul3A_2, %mul3A_50 : i32
    %dma_wait3A = tpu.memref_slice %arg2[%mul3A_51] : memref<819200xi32, #tpu.memory_space<hbm>> -> memref<200xi32, #tpu.memory_space<hbm>>
    %dma_wait3A_52 = tpu.memref_slice %arg2[%mul3A_51] : memref<819200xi32, #tpu.memory_space<hbm>> -> memref<200xi32, #tpu.memory_space<hbm>>
    tpu.wait_dma2 semaphore(%arg17 : memref<!tpu.dma_semaphore, #tpu.memory_space<semaphore_mem>>) src(%dma_wait3A_52 : memref<200xi32, #tpu.memory_space<hbm>>) dst(%arg5 : memref<200xi32, #tpu.memory_space<vmem>>)
    %dma_start3A_53 = arith.constant 0 : i32
    %dma_start3A_54 = arith.constant 0 : i32
    %dma_start3A_55 = tpu.memref_slice %arg3[%dma_start3A_53, %dma_start3A_54] : memref<1000000x128xf32, #tpu.memory_space<hbm>> -> memref<1000000x128xf32, #tpu.memory_space<hbm>>
    tpu.enqueue_indirect_dma source(%dma_start3A_55 : memref<1000000x128xf32, #tpu.memory_space<hbm>>) target(%arg13 : memref<200x128xf32, #tpu.memory_space<vmem>>) offsets(%arg5 : memref<200xi32, #tpu.memory_space<vmem>>) semaphore(%arg25 : memref<!tpu.dma_semaphore, #tpu.memory_space<semaphore_mem>>)
    %mul3A_56 = arith.constant 200 : i32
    %mul3A_57 = arith.muli %mul3A_2, %mul3A_56 : i32
    %dma_wait3A_58 = tpu.memref_slice %arg2[%mul3A_57] : memref<819200xi32, #tpu.memory_space<hbm>> -> memref<200xi32, #tpu.memory_space<hbm>>
    %dma_wait3A_59 = tpu.memref_slice %arg2[%mul3A_57] : memref<819200xi32, #tpu.memory_space<hbm>> -> memref<200xi32, #tpu.memory_space<hbm>>
    tpu.wait_dma2 semaphore(%arg18 : memref<!tpu.dma_semaphore, #tpu.memory_space<semaphore_mem>>) src(%dma_wait3A_59 : memref<200xi32, #tpu.memory_space<hbm>>) dst(%arg6 : memref<200xi32, #tpu.memory_space<vmem>>)
    %dma_start3A_60 = arith.constant 0 : i32
    %dma_start3A_61 = arith.constant 0 : i32
    %dma_start3A_62 = tpu.memref_slice %arg3[%dma_start3A_60, %dma_start3A_61] : memref<1000000x128xf32, #tpu.memory_space<hbm>> -> memref<1000000x128xf32, #tpu.memory_space<hbm>>
    tpu.enqueue_indirect_dma source(%dma_start3A_62 : memref<1000000x128xf32, #tpu.memory_space<hbm>>) target(%arg14 : memref<200x128xf32, #tpu.memory_space<vmem>>) offsets(%arg6 : memref<200xi32, #tpu.memory_space<vmem>>) semaphore(%arg26 : memref<!tpu.dma_semaphore, #tpu.memory_space<semaphore_mem>>)
    %mul3A_63 = arith.constant 200 : i32
    %mul3A_64 = arith.muli %mul3A_2, %mul3A_63 : i32
    %dma_wait3A_65 = tpu.memref_slice %arg2[%mul3A_64] : memref<819200xi32, #tpu.memory_space<hbm>> -> memref<200xi32, #tpu.memory_space<hbm>>
    %dma_wait3A_66 = tpu.memref_slice %arg2[%mul3A_64] : memref<819200xi32, #tpu.memory_space<hbm>> -> memref<200xi32, #tpu.memory_space<hbm>>
    tpu.wait_dma2 semaphore(%arg19 : memref<!tpu.dma_semaphore, #tpu.memory_space<semaphore_mem>>) src(%dma_wait3A_66 : memref<200xi32, #tpu.memory_space<hbm>>) dst(%arg7 : memref<200xi32, #tpu.memory_space<vmem>>)
    %dma_start3A_67 = arith.constant 0 : i32
    %dma_start3A_68 = arith.constant 0 : i32
    %dma_start3A_69 = tpu.memref_slice %arg3[%dma_start3A_67, %dma_start3A_68] : memref<1000000x128xf32, #tpu.memory_space<hbm>> -> memref<1000000x128xf32, #tpu.memory_space<hbm>>
    tpu.enqueue_indirect_dma source(%dma_start3A_69 : memref<1000000x128xf32, #tpu.memory_space<hbm>>) target(%arg15 : memref<200x128xf32, #tpu.memory_space<vmem>>) offsets(%arg7 : memref<200xi32, #tpu.memory_space<vmem>>) semaphore(%arg27 : memref<!tpu.dma_semaphore, #tpu.memory_space<semaphore_mem>>)
    %mul3A_70 = arith.constant 200 : i32
    %mul3A_71 = arith.muli %mul3A_2, %mul3A_70 : i32
    %dma_wait3A_72 = tpu.memref_slice %arg2[%mul3A_71] : memref<819200xi32, #tpu.memory_space<hbm>> -> memref<200xi32, #tpu.memory_space<hbm>>
    %dma_wait3A_73 = tpu.memref_slice %arg2[%mul3A_71] : memref<819200xi32, #tpu.memory_space<hbm>> -> memref<200xi32, #tpu.memory_space<hbm>>
    tpu.wait_dma2 semaphore(%arg20 : memref<!tpu.dma_semaphore, #tpu.memory_space<semaphore_mem>>) src(%dma_wait3A_73 : memref<200xi32, #tpu.memory_space<hbm>>) dst(%arg8 : memref<200xi32, #tpu.memory_space<vmem>>)
    %dma_start3A_74 = arith.constant 0 : i32
    %dma_start3A_75 = arith.constant 0 : i32
    %dma_start3A_76 = tpu.memref_slice %arg3[%dma_start3A_74, %dma_start3A_75] : memref<1000000x128xf32, #tpu.memory_space<hbm>> -> memref<1000000x128xf32, #tpu.memory_space<hbm>>
    tpu.enqueue_indirect_dma source(%dma_start3A_76 : memref<1000000x128xf32, #tpu.memory_space<hbm>>) target(%arg16 : memref<200x128xf32, #tpu.memory_space<vmem>>) offsets(%arg8 : memref<200xi32, #tpu.memory_space<vmem>>) semaphore(%arg28 : memref<!tpu.dma_semaphore, #tpu.memory_space<semaphore_mem>>)
    %scan3A = arith.constant 0 : i32
    %scan3A_77 = arith.constant 0 : i32
    %scan3A_78 = arith.constant 16 : i32
    %scan3A_79 = arith.addi %scan3A_77, %scan3A_78 : i32
    %scan3A_80 = arith.constant 1 : i32
    scf.for %scan3A_114 = %scan3A_77 to %scan3A_79 step %scan3A_80  : i32 {
      %mul3A_115 = arith.constant 8 : i32
      %mul3A_116 = arith.muli %scan3A_114, %mul3A_115 : i32
      %add3A_117 = arith.constant 0 : i32
      %add3A_118 = arith.addi %mul3A_116, %add3A_117 : i32
      %dma_wait3A_119 = arith.constant 0 : i32
      %dma_wait3A_120 = arith.constant 0 : i32
      %dma_wait3A_121 = tpu.memref_slice %arg3[%dma_wait3A_119, %dma_wait3A_120] : memref<1000000x128xf32, #tpu.memory_space<hbm>> -> memref<1000000x128xf32, #tpu.memory_space<hbm>>
      tpu.wait_indirect_dma semaphore(%arg25 : memref<!tpu.dma_semaphore, #tpu.memory_space<semaphore_mem>>) src(%dma_wait3A_121 : memref<1000000x128xf32, #tpu.memory_space<hbm>>) dst(%arg13 : memref<200x128xf32, #tpu.memory_space<vmem>>)
      %add3A_122 = arith.addi %mul3A_2, %add3A_118 : i32
      %dma_start3A_123 = arith.constant 0 : i32
      %dma_start3A_124 = arith.constant 0 : i32
      %dma_start3A_125 = tpu.memref_slice %arg4[%add3A_122, %dma_start3A_123, %dma_start3A_124] : memref<4096x200x128xf32, #tpu.memory_space<hbm>> -> memref<1x200x128xf32, #tpu.memory_space<hbm>>
      %dma_start3A_126 = tpu.memref_squeeze %dma_start3A_125 : memref<1x200x128xf32, #tpu.memory_space<hbm>> -> memref<200x128xf32, #tpu.memory_space<hbm>>
      %dma_start3A_127 = arith.constant 0 : i32
      %dma_start3A_128 = arith.constant 0 : i32
      %dma_start3A_129 = tpu.memref_slice %arg4[%add3A_122, %dma_start3A_127, %dma_start3A_128] : memref<4096x200x128xf32, #tpu.memory_space<hbm>> -> memref<1x200x128xf32, #tpu.memory_space<hbm>>
      %dma_start3A_130 = tpu.memref_squeeze %dma_start3A_129 : memref<1x200x128xf32, #tpu.memory_space<hbm>> -> memref<200x128xf32, #tpu.memory_space<hbm>>
      tpu.enqueue_dma source(%arg13 : memref<200x128xf32, #tpu.memory_space<vmem>>) target(%dma_start3A_130 : memref<200x128xf32, #tpu.memory_space<hbm>>) target_semaphore(%arg29 : memref<!tpu.dma_semaphore, #tpu.memory_space<semaphore_mem>>)
      %add3A_131 = arith.constant 8 : i32
      %add3A_132 = arith.addi %add3A_118, %add3A_131 : i32
      %lt3A = arith.constant 128 : i32
      %lt3A_133 = arith.cmpi slt, %add3A_132, %lt3A : i32
      %convert_element_type3A = arith.extui %lt3A_133 : i1 to i32
      %cond3A = arith.constant 0 : i32
      %cond3A_134 = arith.cmpi ne, %convert_element_type3A, %cond3A : i32
      scf.if %cond3A_134 {
        %add3A_352 = arith.constant 8 : i32
        %add3A_353 = arith.addi %add3A_118, %add3A_352 : i32
        %add3A_354 = arith.addi %mul3A_2, %add3A_353 : i32
        %mul3A_355 = arith.constant 200 : i32
        %mul3A_356 = arith.muli %add3A_354, %mul3A_355 : i32
        %dma_start3A_357 = tpu.memref_slice %arg2[%mul3A_356] : memref<819200xi32, #tpu.memory_space<hbm>> -> memref<200xi32, #tpu.memory_space<hbm>>
        %dma_start3A_358 = tpu.memref_slice %arg2[%mul3A_356] : memref<819200xi32, #tpu.memory_space<hbm>> -> memref<200xi32, #tpu.memory_space<hbm>>
        tpu.enqueue_dma source(%dma_start3A_358 : memref<200xi32, #tpu.memory_space<hbm>>) target(%arg5 : memref<200xi32, #tpu.memory_space<vmem>>) target_semaphore(%arg17 : memref<!tpu.dma_semaphore, #tpu.memory_space<semaphore_mem>>)
      } else {
      }
      %add3A_135 = arith.constant 4 : i32
      %add3A_136 = arith.addi %add3A_118, %add3A_135 : i32
      %lt3A_137 = arith.constant 128 : i32
      %lt3A_138 = arith.cmpi slt, %add3A_136, %lt3A_137 : i32
      %convert_element_type3A_139 = arith.extui %lt3A_138 : i1 to i32
      %cond3A_140 = arith.constant 0 : i32
      %cond3A_141 = arith.cmpi ne, %convert_element_type3A_139, %cond3A_140 : i32
      scf.if %cond3A_141 {
        %dma_wait3A_352 = arith.constant 0 : i32
        %dma_wait3A_353 = arith.constant 0 : i32
        %dma_wait3A_354 = tpu.memref_slice %arg4[%mul3A_2, %dma_wait3A_352, %dma_wait3A_353] : memref<4096x200x128xf32, #tpu.memory_space<hbm>> -> memref<1x200x128xf32, #tpu.memory_space<hbm>>
        %dma_wait3A_355 = tpu.memref_squeeze %dma_wait3A_354 : memref<1x200x128xf32, #tpu.memory_space<hbm>> -> memref<200x128xf32, #tpu.memory_space<hbm>>
        %dma_wait3A_356 = arith.constant 0 : i32
        %dma_wait3A_357 = arith.constant 0 : i32
        %dma_wait3A_358 = tpu.memref_slice %arg4[%mul3A_2, %dma_wait3A_356, %dma_wait3A_357] : memref<4096x200x128xf32, #tpu.memory_space<hbm>> -> memref<1x200x128xf32, #tpu.memory_space<hbm>>
        %dma_wait3A_359 = tpu.memref_squeeze %dma_wait3A_358 : memref<1x200x128xf32, #tpu.memory_space<hbm>> -> memref<200x128xf32, #tpu.memory_space<hbm>>
        tpu.wait_dma2 semaphore(%arg29 : memref<!tpu.dma_semaphore, #tpu.memory_space<semaphore_mem>>) src(%arg13 : memref<200x128xf32, #tpu.memory_space<vmem>>) dst(%dma_wait3A_359 : memref<200x128xf32, #tpu.memory_space<hbm>>)
        %mul3A_360 = arith.constant 200 : i32
        %mul3A_361 = arith.muli %mul3A_2, %mul3A_360 : i32
        %dma_wait3A_362 = tpu.memref_slice %arg2[%mul3A_361] : memref<819200xi32, #tpu.memory_space<hbm>> -> memref<200xi32, #tpu.memory_space<hbm>>
        %dma_wait3A_363 = tpu.memref_slice %arg2[%mul3A_361] : memref<819200xi32, #tpu.memory_space<hbm>> -> memref<200xi32, #tpu.memory_space<hbm>>
        tpu.wait_dma2 semaphore(%arg21 : memref<!tpu.dma_semaphore, #tpu.memory_space<semaphore_mem>>) src(%dma_wait3A_363 : memref<200xi32, #tpu.memory_space<hbm>>) dst(%arg9 : memref<200xi32, #tpu.memory_space<vmem>>)
        %dma_start3A_364 = arith.constant 0 : i32
        %dma_start3A_365 = arith.constant 0 : i32
        %dma_start3A_366 = tpu.memref_slice %arg3[%dma_start3A_364, %dma_start3A_365] : memref<1000000x128xf32, #tpu.memory_space<hbm>> -> memref<1000000x128xf32, #tpu.memory_space<hbm>>
        tpu.enqueue_indirect_dma source(%dma_start3A_366 : memref<1000000x128xf32, #tpu.memory_space<hbm>>) target(%arg13 : memref<200x128xf32, #tpu.memory_space<vmem>>) offsets(%arg9 : memref<200xi32, #tpu.memory_space<vmem>>) semaphore(%arg25 : memref<!tpu.dma_semaphore, #tpu.memory_space<semaphore_mem>>)
      } else {
      }
      %mul3A_142 = arith.constant 8 : i32
      %mul3A_143 = arith.muli %scan3A_114, %mul3A_142 : i32
      %add3A_144 = arith.constant 1 : i32
      %add3A_145 = arith.addi %mul3A_143, %add3A_144 : i32
      %dma_wait3A_146 = arith.constant 0 : i32
      %dma_wait3A_147 = arith.constant 0 : i32
      %dma_wait3A_148 = tpu.memref_slice %arg3[%dma_wait3A_146, %dma_wait3A_147] : memref<1000000x128xf32, #tpu.memory_space<hbm>> -> memref<1000000x128xf32, #tpu.memory_space<hbm>>
      tpu.wait_indirect_dma semaphore(%arg26 : memref<!tpu.dma_semaphore, #tpu.memory_space<semaphore_mem>>) src(%dma_wait3A_148 : memref<1000000x128xf32, #tpu.memory_space<hbm>>) dst(%arg14 : memref<200x128xf32, #tpu.memory_space<vmem>>)
      %add3A_149 = arith.addi %mul3A_2, %add3A_145 : i32
      %dma_start3A_150 = arith.constant 0 : i32
      %dma_start3A_151 = arith.constant 0 : i32
      %dma_start3A_152 = tpu.memref_slice %arg4[%add3A_149, %dma_start3A_150, %dma_start3A_151] : memref<4096x200x128xf32, #tpu.memory_space<hbm>> -> memref<1x200x128xf32, #tpu.memory_space<hbm>>
      %dma_start3A_153 = tpu.memref_squeeze %dma_start3A_152 : memref<1x200x128xf32, #tpu.memory_space<hbm>> -> memref<200x128xf32, #tpu.memory_space<hbm>>
      %dma_start3A_154 = arith.constant 0 : i32
      %dma_start3A_155 = arith.constant 0 : i32
      %dma_start3A_156 = tpu.memref_slice %arg4[%add3A_149, %dma_start3A_154, %dma_start3A_155] : memref<4096x200x128xf32, #tpu.memory_space<hbm>> -> memref<1x200x128xf32, #tpu.memory_space<hbm>>
      %dma_start3A_157 = tpu.memref_squeeze %dma_start3A_156 : memref<1x200x128xf32, #tpu.memory_space<hbm>> -> memref<200x128xf32, #tpu.memory_space<hbm>>
      tpu.enqueue_dma source(%arg14 : memref<200x128xf32, #tpu.memory_space<vmem>>) target(%dma_start3A_157 : memref<200x128xf32, #tpu.memory_space<hbm>>) target_semaphore(%arg30 : memref<!tpu.dma_semaphore, #tpu.memory_space<semaphore_mem>>)
      %add3A_158 = arith.constant 8 : i32
      %add3A_159 = arith.addi %add3A_145, %add3A_158 : i32
      %lt3A_160 = arith.constant 128 : i32
      %lt3A_161 = arith.cmpi slt, %add3A_159, %lt3A_160 : i32
      %convert_element_type3A_162 = arith.extui %lt3A_161 : i1 to i32
      %cond3A_163 = arith.constant 0 : i32
      %cond3A_164 = arith.cmpi ne, %convert_element_type3A_162, %cond3A_163 : i32
      scf.if %cond3A_164 {
        %add3A_352 = arith.constant 8 : i32
        %add3A_353 = arith.addi %add3A_145, %add3A_352 : i32
        %add3A_354 = arith.addi %mul3A_2, %add3A_353 : i32
        %mul3A_355 = arith.constant 200 : i32
        %mul3A_356 = arith.muli %add3A_354, %mul3A_355 : i32
        %dma_start3A_357 = tpu.memref_slice %arg2[%mul3A_356] : memref<819200xi32, #tpu.memory_space<hbm>> -> memref<200xi32, #tpu.memory_space<hbm>>
        %dma_start3A_358 = tpu.memref_slice %arg2[%mul3A_356] : memref<819200xi32, #tpu.memory_space<hbm>> -> memref<200xi32, #tpu.memory_space<hbm>>
        tpu.enqueue_dma source(%dma_start3A_358 : memref<200xi32, #tpu.memory_space<hbm>>) target(%arg6 : memref<200xi32, #tpu.memory_space<vmem>>) target_semaphore(%arg18 : memref<!tpu.dma_semaphore, #tpu.memory_space<semaphore_mem>>)
      } else {
      }
      %add3A_165 = arith.constant 4 : i32
      %add3A_166 = arith.addi %add3A_145, %add3A_165 : i32
      %lt3A_167 = arith.constant 128 : i32
      %lt3A_168 = arith.cmpi slt, %add3A_166, %lt3A_167 : i32
      %convert_element_type3A_169 = arith.extui %lt3A_168 : i1 to i32
      %cond3A_170 = arith.constant 0 : i32
      %cond3A_171 = arith.cmpi ne, %convert_element_type3A_169, %cond3A_170 : i32
      scf.if %cond3A_171 {
        %dma_wait3A_352 = arith.constant 0 : i32
        %dma_wait3A_353 = arith.constant 0 : i32
        %dma_wait3A_354 = tpu.memref_slice %arg4[%mul3A_2, %dma_wait3A_352, %dma_wait3A_353] : memref<4096x200x128xf32, #tpu.memory_space<hbm>> -> memref<1x200x128xf32, #tpu.memory_space<hbm>>
        %dma_wait3A_355 = tpu.memref_squeeze %dma_wait3A_354 : memref<1x200x128xf32, #tpu.memory_space<hbm>> -> memref<200x128xf32, #tpu.memory_space<hbm>>
        %dma_wait3A_356 = arith.constant 0 : i32
        %dma_wait3A_357 = arith.constant 0 : i32
        %dma_wait3A_358 = tpu.memref_slice %arg4[%mul3A_2, %dma_wait3A_356, %dma_wait3A_357] : memref<4096x200x128xf32, #tpu.memory_space<hbm>> -> memref<1x200x128xf32, #tpu.memory_space<hbm>>
        %dma_wait3A_359 = tpu.memref_squeeze %dma_wait3A_358 : memref<1x200x128xf32, #tpu.memory_space<hbm>> -> memref<200x128xf32, #tpu.memory_space<hbm>>
        tpu.wait_dma2 semaphore(%arg30 : memref<!tpu.dma_semaphore, #tpu.memory_space<semaphore_mem>>) src(%arg14 : memref<200x128xf32, #tpu.memory_space<vmem>>) dst(%dma_wait3A_359 : memref<200x128xf32, #tpu.memory_space<hbm>>)
        %mul3A_360 = arith.constant 200 : i32
        %mul3A_361 = arith.muli %mul3A_2, %mul3A_360 : i32
        %dma_wait3A_362 = tpu.memref_slice %arg2[%mul3A_361] : memref<819200xi32, #tpu.memory_space<hbm>> -> memref<200xi32, #tpu.memory_space<hbm>>
        %dma_wait3A_363 = tpu.memref_slice %arg2[%mul3A_361] : memref<819200xi32, #tpu.memory_space<hbm>> -> memref<200xi32, #tpu.memory_space<hbm>>
        tpu.wait_dma2 semaphore(%arg22 : memref<!tpu.dma_semaphore, #tpu.memory_space<semaphore_mem>>) src(%dma_wait3A_363 : memref<200xi32, #tpu.memory_space<hbm>>) dst(%arg10 : memref<200xi32, #tpu.memory_space<vmem>>)
        %dma_start3A_364 = arith.constant 0 : i32
        %dma_start3A_365 = arith.constant 0 : i32
        %dma_start3A_366 = tpu.memref_slice %arg3[%dma_start3A_364, %dma_start3A_365] : memref<1000000x128xf32, #tpu.memory_space<hbm>> -> memref<1000000x128xf32, #tpu.memory_space<hbm>>
        tpu.enqueue_indirect_dma source(%dma_start3A_366 : memref<1000000x128xf32, #tpu.memory_space<hbm>>) target(%arg14 : memref<200x128xf32, #tpu.memory_space<vmem>>) offsets(%arg10 : memref<200xi32, #tpu.memory_space<vmem>>) semaphore(%arg26 : memref<!tpu.dma_semaphore, #tpu.memory_space<semaphore_mem>>)
      } else {
      }
      %mul3A_172 = arith.constant 8 : i32
      %mul3A_173 = arith.muli %scan3A_114, %mul3A_172 : i32
      %add3A_174 = arith.constant 2 : i32
      %add3A_175 = arith.addi %mul3A_173, %add3A_174 : i32
      %dma_wait3A_176 = arith.constant 0 : i32
      %dma_wait3A_177 = arith.constant 0 : i32
      %dma_wait3A_178 = tpu.memref_slice %arg3[%dma_wait3A_176, %dma_wait3A_177] : memref<1000000x128xf32, #tpu.memory_space<hbm>> -> memref<1000000x128xf32, #tpu.memory_space<hbm>>
      tpu.wait_indirect_dma semaphore(%arg27 : memref<!tpu.dma_semaphore, #tpu.memory_space<semaphore_mem>>) src(%dma_wait3A_178 : memref<1000000x128xf32, #tpu.memory_space<hbm>>) dst(%arg15 : memref<200x128xf32, #tpu.memory_space<vmem>>)
      %add3A_179 = arith.addi %mul3A_2, %add3A_175 : i32
      %dma_start3A_180 = arith.constant 0 : i32
      %dma_start3A_181 = arith.constant 0 : i32
      %dma_start3A_182 = tpu.memref_slice %arg4[%add3A_179, %dma_start3A_180, %dma_start3A_181] : memref<4096x200x128xf32, #tpu.memory_space<hbm>> -> memref<1x200x128xf32, #tpu.memory_space<hbm>>
      %dma_start3A_183 = tpu.memref_squeeze %dma_start3A_182 : memref<1x200x128xf32, #tpu.memory_space<hbm>> -> memref<200x128xf32, #tpu.memory_space<hbm>>
      %dma_start3A_184 = arith.constant 0 : i32
      %dma_start3A_185 = arith.constant 0 : i32
      %dma_start3A_186 = tpu.memref_slice %arg4[%add3A_179, %dma_start3A_184, %dma_start3A_185] : memref<4096x200x128xf32, #tpu.memory_space<hbm>> -> memref<1x200x128xf32, #tpu.memory_space<hbm>>
      %dma_start3A_187 = tpu.memref_squeeze %dma_start3A_186 : memref<1x200x128xf32, #tpu.memory_space<hbm>> -> memref<200x128xf32, #tpu.memory_space<hbm>>
      tpu.enqueue_dma source(%arg15 : memref<200x128xf32, #tpu.memory_space<vmem>>) target(%dma_start3A_187 : memref<200x128xf32, #tpu.memory_space<hbm>>) target_semaphore(%arg31 : memref<!tpu.dma_semaphore, #tpu.memory_space<semaphore_mem>>)
      %add3A_188 = arith.constant 8 : i32
      %add3A_189 = arith.addi %add3A_175, %add3A_188 : i32
      %lt3A_190 = arith.constant 128 : i32
      %lt3A_191 = arith.cmpi slt, %add3A_189, %lt3A_190 : i32
      %convert_element_type3A_192 = arith.extui %lt3A_191 : i1 to i32
      %cond3A_193 = arith.constant 0 : i32
      %cond3A_194 = arith.cmpi ne, %convert_element_type3A_192, %cond3A_193 : i32
      scf.if %cond3A_194 {
        %add3A_352 = arith.constant 8 : i32
        %add3A_353 = arith.addi %add3A_175, %add3A_352 : i32
        %add3A_354 = arith.addi %mul3A_2, %add3A_353 : i32
        %mul3A_355 = arith.constant 200 : i32
        %mul3A_356 = arith.muli %add3A_354, %mul3A_355 : i32
        %dma_start3A_357 = tpu.memref_slice %arg2[%mul3A_356] : memref<819200xi32, #tpu.memory_space<hbm>> -> memref<200xi32, #tpu.memory_space<hbm>>
        %dma_start3A_358 = tpu.memref_slice %arg2[%mul3A_356] : memref<819200xi32, #tpu.memory_space<hbm>> -> memref<200xi32, #tpu.memory_space<hbm>>
        tpu.enqueue_dma source(%dma_start3A_358 : memref<200xi32, #tpu.memory_space<hbm>>) target(%arg7 : memref<200xi32, #tpu.memory_space<vmem>>) target_semaphore(%arg19 : memref<!tpu.dma_semaphore, #tpu.memory_space<semaphore_mem>>)
      } else {
      }
      %add3A_195 = arith.constant 4 : i32
      %add3A_196 = arith.addi %add3A_175, %add3A_195 : i32
      %lt3A_197 = arith.constant 128 : i32
      %lt3A_198 = arith.cmpi slt, %add3A_196, %lt3A_197 : i32
      %convert_element_type3A_199 = arith.extui %lt3A_198 : i1 to i32
      %cond3A_200 = arith.constant 0 : i32
      %cond3A_201 = arith.cmpi ne, %convert_element_type3A_199, %cond3A_200 : i32
      scf.if %cond3A_201 {
        %dma_wait3A_352 = arith.constant 0 : i32
        %dma_wait3A_353 = arith.constant 0 : i32
        %dma_wait3A_354 = tpu.memref_slice %arg4[%mul3A_2, %dma_wait3A_352, %dma_wait3A_353] : memref<4096x200x128xf32, #tpu.memory_space<hbm>> -> memref<1x200x128xf32, #tpu.memory_space<hbm>>
        %dma_wait3A_355 = tpu.memref_squeeze %dma_wait3A_354 : memref<1x200x128xf32, #tpu.memory_space<hbm>> -> memref<200x128xf32, #tpu.memory_space<hbm>>
        %dma_wait3A_356 = arith.constant 0 : i32
        %dma_wait3A_357 = arith.constant 0 : i32
        %dma_wait3A_358 = tpu.memref_slice %arg4[%mul3A_2, %dma_wait3A_356, %dma_wait3A_357] : memref<4096x200x128xf32, #tpu.memory_space<hbm>> -> memref<1x200x128xf32, #tpu.memory_space<hbm>>
        %dma_wait3A_359 = tpu.memref_squeeze %dma_wait3A_358 : memref<1x200x128xf32, #tpu.memory_space<hbm>> -> memref<200x128xf32, #tpu.memory_space<hbm>>
        tpu.wait_dma2 semaphore(%arg31 : memref<!tpu.dma_semaphore, #tpu.memory_space<semaphore_mem>>) src(%arg15 : memref<200x128xf32, #tpu.memory_space<vmem>>) dst(%dma_wait3A_359 : memref<200x128xf32, #tpu.memory_space<hbm>>)
        %mul3A_360 = arith.constant 200 : i32
        %mul3A_361 = arith.muli %mul3A_2, %mul3A_360 : i32
        %dma_wait3A_362 = tpu.memref_slice %arg2[%mul3A_361] : memref<819200xi32, #tpu.memory_space<hbm>> -> memref<200xi32, #tpu.memory_space<hbm>>
        %dma_wait3A_363 = tpu.memref_slice %arg2[%mul3A_361] : memref<819200xi32, #tpu.memory_space<hbm>> -> memref<200xi32, #tpu.memory_space<hbm>>
        tpu.wait_dma2 semaphore(%arg23 : memref<!tpu.dma_semaphore, #tpu.memory_space<semaphore_mem>>) src(%dma_wait3A_363 : memref<200xi32, #tpu.memory_space<hbm>>) dst(%arg11 : memref<200xi32, #tpu.memory_space<vmem>>)
        %dma_start3A_364 = arith.constant 0 : i32
        %dma_start3A_365 = arith.constant 0 : i32
        %dma_start3A_366 = tpu.memref_slice %arg3[%dma_start3A_364, %dma_start3A_365] : memref<1000000x128xf32, #tpu.memory_space<hbm>> -> memref<1000000x128xf32, #tpu.memory_space<hbm>>
        tpu.enqueue_indirect_dma source(%dma_start3A_366 : memref<1000000x128xf32, #tpu.memory_space<hbm>>) target(%arg15 : memref<200x128xf32, #tpu.memory_space<vmem>>) offsets(%arg11 : memref<200xi32, #tpu.memory_space<vmem>>) semaphore(%arg27 : memref<!tpu.dma_semaphore, #tpu.memory_space<semaphore_mem>>)
      } else {
      }
      %mul3A_202 = arith.constant 8 : i32
      %mul3A_203 = arith.muli %scan3A_114, %mul3A_202 : i32
      %add3A_204 = arith.constant 3 : i32
      %add3A_205 = arith.addi %mul3A_203, %add3A_204 : i32
      %dma_wait3A_206 = arith.constant 0 : i32
      %dma_wait3A_207 = arith.constant 0 : i32
      %dma_wait3A_208 = tpu.memref_slice %arg3[%dma_wait3A_206, %dma_wait3A_207] : memref<1000000x128xf32, #tpu.memory_space<hbm>> -> memref<1000000x128xf32, #tpu.memory_space<hbm>>
      tpu.wait_indirect_dma semaphore(%arg28 : memref<!tpu.dma_semaphore, #tpu.memory_space<semaphore_mem>>) src(%dma_wait3A_208 : memref<1000000x128xf32, #tpu.memory_space<hbm>>) dst(%arg16 : memref<200x128xf32, #tpu.memory_space<vmem>>)
      %add3A_209 = arith.addi %mul3A_2, %add3A_205 : i32
      %dma_start3A_210 = arith.constant 0 : i32
      %dma_start3A_211 = arith.constant 0 : i32
      %dma_start3A_212 = tpu.memref_slice %arg4[%add3A_209, %dma_start3A_210, %dma_start3A_211] : memref<4096x200x128xf32, #tpu.memory_space<hbm>> -> memref<1x200x128xf32, #tpu.memory_space<hbm>>
      %dma_start3A_213 = tpu.memref_squeeze %dma_start3A_212 : memref<1x200x128xf32, #tpu.memory_space<hbm>> -> memref<200x128xf32, #tpu.memory_space<hbm>>
      %dma_start3A_214 = arith.constant 0 : i32
      %dma_start3A_215 = arith.constant 0 : i32
      %dma_start3A_216 = tpu.memref_slice %arg4[%add3A_209, %dma_start3A_214, %dma_start3A_215] : memref<4096x200x128xf32, #tpu.memory_space<hbm>> -> memref<1x200x128xf32, #tpu.memory_space<hbm>>
      %dma_start3A_217 = tpu.memref_squeeze %dma_start3A_216 : memref<1x200x128xf32, #tpu.memory_space<hbm>> -> memref<200x128xf32, #tpu.memory_space<hbm>>
      tpu.enqueue_dma source(%arg16 : memref<200x128xf32, #tpu.memory_space<vmem>>) target(%dma_start3A_217 : memref<200x128xf32, #tpu.memory_space<hbm>>) target_semaphore(%arg32 : memref<!tpu.dma_semaphore, #tpu.memory_space<semaphore_mem>>)
      %add3A_218 = arith.constant 8 : i32
      %add3A_219 = arith.addi %add3A_205, %add3A_218 : i32
      %lt3A_220 = arith.constant 128 : i32
      %lt3A_221 = arith.cmpi slt, %add3A_219, %lt3A_220 : i32
      %convert_element_type3A_222 = arith.extui %lt3A_221 : i1 to i32
      %cond3A_223 = arith.constant 0 : i32
      %cond3A_224 = arith.cmpi ne, %convert_element_type3A_222, %cond3A_223 : i32
      scf.if %cond3A_224 {
        %add3A_352 = arith.constant 8 : i32
        %add3A_353 = arith.addi %add3A_205, %add3A_352 : i32
        %add3A_354 = arith.addi %mul3A_2, %add3A_353 : i32
        %mul3A_355 = arith.constant 200 : i32
        %mul3A_356 = arith.muli %add3A_354, %mul3A_355 : i32
        %dma_start3A_357 = tpu.memref_slice %arg2[%mul3A_356] : memref<819200xi32, #tpu.memory_space<hbm>> -> memref<200xi32, #tpu.memory_space<hbm>>
        %dma_start3A_358 = tpu.memref_slice %arg2[%mul3A_356] : memref<819200xi32, #tpu.memory_space<hbm>> -> memref<200xi32, #tpu.memory_space<hbm>>
        tpu.enqueue_dma source(%dma_start3A_358 : memref<200xi32, #tpu.memory_space<hbm>>) target(%arg8 : memref<200xi32, #tpu.memory_space<vmem>>) target_semaphore(%arg20 : memref<!tpu.dma_semaphore, #tpu.memory_space<semaphore_mem>>)
      } else {
      }
      %add3A_225 = arith.constant 4 : i32
      %add3A_226 = arith.addi %add3A_205, %add3A_225 : i32
      %lt3A_227 = arith.constant 128 : i32
      %lt3A_228 = arith.cmpi slt, %add3A_226, %lt3A_227 : i32
      %convert_element_type3A_229 = arith.extui %lt3A_228 : i1 to i32
      %cond3A_230 = arith.constant 0 : i32
      %cond3A_231 = arith.cmpi ne, %convert_element_type3A_229, %cond3A_230 : i32
      scf.if %cond3A_231 {
        %dma_wait3A_352 = arith.constant 0 : i32
        %dma_wait3A_353 = arith.constant 0 : i32
        %dma_wait3A_354 = tpu.memref_slice %arg4[%mul3A_2, %dma_wait3A_352, %dma_wait3A_353] : memref<4096x200x128xf32, #tpu.memory_space<hbm>> -> memref<1x200x128xf32, #tpu.memory_space<hbm>>
        %dma_wait3A_355 = tpu.memref_squeeze %dma_wait3A_354 : memref<1x200x128xf32, #tpu.memory_space<hbm>> -> memref<200x128xf32, #tpu.memory_space<hbm>>
        %dma_wait3A_356 = arith.constant 0 : i32
        %dma_wait3A_357 = arith.constant 0 : i32
        %dma_wait3A_358 = tpu.memref_slice %arg4[%mul3A_2, %dma_wait3A_356, %dma_wait3A_357] : memref<4096x200x128xf32, #tpu.memory_space<hbm>> -> memref<1x200x128xf32, #tpu.memory_space<hbm>>
        %dma_wait3A_359 = tpu.memref_squeeze %dma_wait3A_358 : memref<1x200x128xf32, #tpu.memory_space<hbm>> -> memref<200x128xf32, #tpu.memory_space<hbm>>
        tpu.wait_dma2 semaphore(%arg32 : memref<!tpu.dma_semaphore, #tpu.memory_space<semaphore_mem>>) src(%arg16 : memref<200x128xf32, #tpu.memory_space<vmem>>) dst(%dma_wait3A_359 : memref<200x128xf32, #tpu.memory_space<hbm>>)
        %mul3A_360 = arith.constant 200 : i32
        %mul3A_361 = arith.muli %mul3A_2, %mul3A_360 : i32
        %dma_wait3A_362 = tpu.memref_slice %arg2[%mul3A_361] : memref<819200xi32, #tpu.memory_space<hbm>> -> memref<200xi32, #tpu.memory_space<hbm>>
        %dma_wait3A_363 = tpu.memref_slice %arg2[%mul3A_361] : memref<819200xi32, #tpu.memory_space<hbm>> -> memref<200xi32, #tpu.memory_space<hbm>>
        tpu.wait_dma2 semaphore(%arg24 : memref<!tpu.dma_semaphore, #tpu.memory_space<semaphore_mem>>) src(%dma_wait3A_363 : memref<200xi32, #tpu.memory_space<hbm>>) dst(%arg12 : memref<200xi32, #tpu.memory_space<vmem>>)
        %dma_start3A_364 = arith.constant 0 : i32
        %dma_start3A_365 = arith.constant 0 : i32
        %dma_start3A_366 = tpu.memref_slice %arg3[%dma_start3A_364, %dma_start3A_365] : memref<1000000x128xf32, #tpu.memory_space<hbm>> -> memref<1000000x128xf32, #tpu.memory_space<hbm>>
        tpu.enqueue_indirect_dma source(%dma_start3A_366 : memref<1000000x128xf32, #tpu.memory_space<hbm>>) target(%arg16 : memref<200x128xf32, #tpu.memory_space<vmem>>) offsets(%arg12 : memref<200xi32, #tpu.memory_space<vmem>>) semaphore(%arg28 : memref<!tpu.dma_semaphore, #tpu.memory_space<semaphore_mem>>)
      } else {
      }
      %mul3A_232 = arith.constant 8 : i32
      %mul3A_233 = arith.muli %scan3A_114, %mul3A_232 : i32
      %add3A_234 = arith.constant 4 : i32
      %add3A_235 = arith.addi %mul3A_233, %add3A_234 : i32
      %dma_wait3A_236 = arith.constant 0 : i32
      %dma_wait3A_237 = arith.constant 0 : i32
      %dma_wait3A_238 = tpu.memref_slice %arg3[%dma_wait3A_236, %dma_wait3A_237] : memref<1000000x128xf32, #tpu.memory_space<hbm>> -> memref<1000000x128xf32, #tpu.memory_space<hbm>>
      tpu.wait_indirect_dma semaphore(%arg25 : memref<!tpu.dma_semaphore, #tpu.memory_space<semaphore_mem>>) src(%dma_wait3A_238 : memref<1000000x128xf32, #tpu.memory_space<hbm>>) dst(%arg13 : memref<200x128xf32, #tpu.memory_space<vmem>>)
      %add3A_239 = arith.addi %mul3A_2, %add3A_235 : i32
      %dma_start3A_240 = arith.constant 0 : i32
      %dma_start3A_241 = arith.constant 0 : i32
      %dma_start3A_242 = tpu.memref_slice %arg4[%add3A_239, %dma_start3A_240, %dma_start3A_241] : memref<4096x200x128xf32, #tpu.memory_space<hbm>> -> memref<1x200x128xf32, #tpu.memory_space<hbm>>
      %dma_start3A_243 = tpu.memref_squeeze %dma_start3A_242 : memref<1x200x128xf32, #tpu.memory_space<hbm>> -> memref<200x128xf32, #tpu.memory_space<hbm>>
      %dma_start3A_244 = arith.constant 0 : i32
      %dma_start3A_245 = arith.constant 0 : i32
      %dma_start3A_246 = tpu.memref_slice %arg4[%add3A_239, %dma_start3A_244, %dma_start3A_245] : memref<4096x200x128xf32, #tpu.memory_space<hbm>> -> memref<1x200x128xf32, #tpu.memory_space<hbm>>
      %dma_start3A_247 = tpu.memref_squeeze %dma_start3A_246 : memref<1x200x128xf32, #tpu.memory_space<hbm>> -> memref<200x128xf32, #tpu.memory_space<hbm>>
      tpu.enqueue_dma source(%arg13 : memref<200x128xf32, #tpu.memory_space<vmem>>) target(%dma_start3A_247 : memref<200x128xf32, #tpu.memory_space<hbm>>) target_semaphore(%arg29 : memref<!tpu.dma_semaphore, #tpu.memory_space<semaphore_mem>>)
      %add3A_248 = arith.constant 8 : i32
      %add3A_249 = arith.addi %add3A_235, %add3A_248 : i32
      %lt3A_250 = arith.constant 128 : i32
      %lt3A_251 = arith.cmpi slt, %add3A_249, %lt3A_250 : i32
      %convert_element_type3A_252 = arith.extui %lt3A_251 : i1 to i32
      %cond3A_253 = arith.constant 0 : i32
      %cond3A_254 = arith.cmpi ne, %convert_element_type3A_252, %cond3A_253 : i32
      scf.if %cond3A_254 {
        %add3A_352 = arith.constant 8 : i32
        %add3A_353 = arith.addi %add3A_235, %add3A_352 : i32
        %add3A_354 = arith.addi %mul3A_2, %add3A_353 : i32
        %mul3A_355 = arith.constant 200 : i32
        %mul3A_356 = arith.muli %add3A_354, %mul3A_355 : i32
        %dma_start3A_357 = tpu.memref_slice %arg2[%mul3A_356] : memref<819200xi32, #tpu.memory_space<hbm>> -> memref<200xi32, #tpu.memory_space<hbm>>
        %dma_start3A_358 = tpu.memref_slice %arg2[%mul3A_356] : memref<819200xi32, #tpu.memory_space<hbm>> -> memref<200xi32, #tpu.memory_space<hbm>>
        tpu.enqueue_dma source(%dma_start3A_358 : memref<200xi32, #tpu.memory_space<hbm>>) target(%arg9 : memref<200xi32, #tpu.memory_space<vmem>>) target_semaphore(%arg21 : memref<!tpu.dma_semaphore, #tpu.memory_space<semaphore_mem>>)
      } else {
      }
      %add3A_255 = arith.constant 4 : i32
      %add3A_256 = arith.addi %add3A_235, %add3A_255 : i32
      %lt3A_257 = arith.constant 128 : i32
      %lt3A_258 = arith.cmpi slt, %add3A_256, %lt3A_257 : i32
      %convert_element_type3A_259 = arith.extui %lt3A_258 : i1 to i32
      %cond3A_260 = arith.constant 0 : i32
      %cond3A_261 = arith.cmpi ne, %convert_element_type3A_259, %cond3A_260 : i32
      scf.if %cond3A_261 {
        %dma_wait3A_352 = arith.constant 0 : i32
        %dma_wait3A_353 = arith.constant 0 : i32
        %dma_wait3A_354 = tpu.memref_slice %arg4[%mul3A_2, %dma_wait3A_352, %dma_wait3A_353] : memref<4096x200x128xf32, #tpu.memory_space<hbm>> -> memref<1x200x128xf32, #tpu.memory_space<hbm>>
        %dma_wait3A_355 = tpu.memref_squeeze %dma_wait3A_354 : memref<1x200x128xf32, #tpu.memory_space<hbm>> -> memref<200x128xf32, #tpu.memory_space<hbm>>
        %dma_wait3A_356 = arith.constant 0 : i32
        %dma_wait3A_357 = arith.constant 0 : i32
        %dma_wait3A_358 = tpu.memref_slice %arg4[%mul3A_2, %dma_wait3A_356, %dma_wait3A_357] : memref<4096x200x128xf32, #tpu.memory_space<hbm>> -> memref<1x200x128xf32, #tpu.memory_space<hbm>>
        %dma_wait3A_359 = tpu.memref_squeeze %dma_wait3A_358 : memref<1x200x128xf32, #tpu.memory_space<hbm>> -> memref<200x128xf32, #tpu.memory_space<hbm>>
        tpu.wait_dma2 semaphore(%arg29 : memref<!tpu.dma_semaphore, #tpu.memory_space<semaphore_mem>>) src(%arg13 : memref<200x128xf32, #tpu.memory_space<vmem>>) dst(%dma_wait3A_359 : memref<200x128xf32, #tpu.memory_space<hbm>>)
        %mul3A_360 = arith.constant 200 : i32
        %mul3A_361 = arith.muli %mul3A_2, %mul3A_360 : i32
        %dma_wait3A_362 = tpu.memref_slice %arg2[%mul3A_361] : memref<819200xi32, #tpu.memory_space<hbm>> -> memref<200xi32, #tpu.memory_space<hbm>>
        %dma_wait3A_363 = tpu.memref_slice %arg2[%mul3A_361] : memref<819200xi32, #tpu.memory_space<hbm>> -> memref<200xi32, #tpu.memory_space<hbm>>
        tpu.wait_dma2 semaphore(%arg17 : memref<!tpu.dma_semaphore, #tpu.memory_space<semaphore_mem>>) src(%dma_wait3A_363 : memref<200xi32, #tpu.memory_space<hbm>>) dst(%arg5 : memref<200xi32, #tpu.memory_space<vmem>>)
        %dma_start3A_364 = arith.constant 0 : i32
        %dma_start3A_365 = arith.constant 0 : i32
        %dma_start3A_366 = tpu.memref_slice %arg3[%dma_start3A_364, %dma_start3A_365] : memref<1000000x128xf32, #tpu.memory_space<hbm>> -> memref<1000000x128xf32, #tpu.memory_space<hbm>>
        tpu.enqueue_indirect_dma source(%dma_start3A_366 : memref<1000000x128xf32, #tpu.memory_space<hbm>>) target(%arg13 : memref<200x128xf32, #tpu.memory_space<vmem>>) offsets(%arg5 : memref<200xi32, #tpu.memory_space<vmem>>) semaphore(%arg25 : memref<!tpu.dma_semaphore, #tpu.memory_space<semaphore_mem>>)
      } else {
      }
      %mul3A_262 = arith.constant 8 : i32
      %mul3A_263 = arith.muli %scan3A_114, %mul3A_262 : i32
      %add3A_264 = arith.constant 5 : i32
      %add3A_265 = arith.addi %mul3A_263, %add3A_264 : i32
      %dma_wait3A_266 = arith.constant 0 : i32
      %dma_wait3A_267 = arith.constant 0 : i32
      %dma_wait3A_268 = tpu.memref_slice %arg3[%dma_wait3A_266, %dma_wait3A_267] : memref<1000000x128xf32, #tpu.memory_space<hbm>> -> memref<1000000x128xf32, #tpu.memory_space<hbm>>
      tpu.wait_indirect_dma semaphore(%arg26 : memref<!tpu.dma_semaphore, #tpu.memory_space<semaphore_mem>>) src(%dma_wait3A_268 : memref<1000000x128xf32, #tpu.memory_space<hbm>>) dst(%arg14 : memref<200x128xf32, #tpu.memory_space<vmem>>)
      %add3A_269 = arith.addi %mul3A_2, %add3A_265 : i32
      %dma_start3A_270 = arith.constant 0 : i32
      %dma_start3A_271 = arith.constant 0 : i32
      %dma_start3A_272 = tpu.memref_slice %arg4[%add3A_269, %dma_start3A_270, %dma_start3A_271] : memref<4096x200x128xf32, #tpu.memory_space<hbm>> -> memref<1x200x128xf32, #tpu.memory_space<hbm>>
      %dma_start3A_273 = tpu.memref_squeeze %dma_start3A_272 : memref<1x200x128xf32, #tpu.memory_space<hbm>> -> memref<200x128xf32, #tpu.memory_space<hbm>>
      %dma_start3A_274 = arith.constant 0 : i32
      %dma_start3A_275 = arith.constant 0 : i32
      %dma_start3A_276 = tpu.memref_slice %arg4[%add3A_269, %dma_start3A_274, %dma_start3A_275] : memref<4096x200x128xf32, #tpu.memory_space<hbm>> -> memref<1x200x128xf32, #tpu.memory_space<hbm>>
      %dma_start3A_277 = tpu.memref_squeeze %dma_start3A_276 : memref<1x200x128xf32, #tpu.memory_space<hbm>> -> memref<200x128xf32, #tpu.memory_space<hbm>>
      tpu.enqueue_dma source(%arg14 : memref<200x128xf32, #tpu.memory_space<vmem>>) target(%dma_start3A_277 : memref<200x128xf32, #tpu.memory_space<hbm>>) target_semaphore(%arg30 : memref<!tpu.dma_semaphore, #tpu.memory_space<semaphore_mem>>)
      %add3A_278 = arith.constant 8 : i32
      %add3A_279 = arith.addi %add3A_265, %add3A_278 : i32
      %lt3A_280 = arith.constant 128 : i32
      %lt3A_281 = arith.cmpi slt, %add3A_279, %lt3A_280 : i32
      %convert_element_type3A_282 = arith.extui %lt3A_281 : i1 to i32
      %cond3A_283 = arith.constant 0 : i32
      %cond3A_284 = arith.cmpi ne, %convert_element_type3A_282, %cond3A_283 : i32
      scf.if %cond3A_284 {
        %add3A_352 = arith.constant 8 : i32
        %add3A_353 = arith.addi %add3A_265, %add3A_352 : i32
        %add3A_354 = arith.addi %mul3A_2, %add3A_353 : i32
        %mul3A_355 = arith.constant 200 : i32
        %mul3A_356 = arith.muli %add3A_354, %mul3A_355 : i32
        %dma_start3A_357 = tpu.memref_slice %arg2[%mul3A_356] : memref<819200xi32, #tpu.memory_space<hbm>> -> memref<200xi32, #tpu.memory_space<hbm>>
        %dma_start3A_358 = tpu.memref_slice %arg2[%mul3A_356] : memref<819200xi32, #tpu.memory_space<hbm>> -> memref<200xi32, #tpu.memory_space<hbm>>
        tpu.enqueue_dma source(%dma_start3A_358 : memref<200xi32, #tpu.memory_space<hbm>>) target(%arg10 : memref<200xi32, #tpu.memory_space<vmem>>) target_semaphore(%arg22 : memref<!tpu.dma_semaphore, #tpu.memory_space<semaphore_mem>>)
      } else {
      }
      %add3A_285 = arith.constant 4 : i32
      %add3A_286 = arith.addi %add3A_265, %add3A_285 : i32
      %lt3A_287 = arith.constant 128 : i32
      %lt3A_288 = arith.cmpi slt, %add3A_286, %lt3A_287 : i32
      %convert_element_type3A_289 = arith.extui %lt3A_288 : i1 to i32
      %cond3A_290 = arith.constant 0 : i32
      %cond3A_291 = arith.cmpi ne, %convert_element_type3A_289, %cond3A_290 : i32
      scf.if %cond3A_291 {
        %dma_wait3A_352 = arith.constant 0 : i32
        %dma_wait3A_353 = arith.constant 0 : i32
        %dma_wait3A_354 = tpu.memref_slice %arg4[%mul3A_2, %dma_wait3A_352, %dma_wait3A_353] : memref<4096x200x128xf32, #tpu.memory_space<hbm>> -> memref<1x200x128xf32, #tpu.memory_space<hbm>>
        %dma_wait3A_355 = tpu.memref_squeeze %dma_wait3A_354 : memref<1x200x128xf32, #tpu.memory_space<hbm>> -> memref<200x128xf32, #tpu.memory_space<hbm>>
        %dma_wait3A_356 = arith.constant 0 : i32
        %dma_wait3A_357 = arith.constant 0 : i32
        %dma_wait3A_358 = tpu.memref_slice %arg4[%mul3A_2, %dma_wait3A_356, %dma_wait3A_357] : memref<4096x200x128xf32, #tpu.memory_space<hbm>> -> memref<1x200x128xf32, #tpu.memory_space<hbm>>
        %dma_wait3A_359 = tpu.memref_squeeze %dma_wait3A_358 : memref<1x200x128xf32, #tpu.memory_space<hbm>> -> memref<200x128xf32, #tpu.memory_space<hbm>>
        tpu.wait_dma2 semaphore(%arg30 : memref<!tpu.dma_semaphore, #tpu.memory_space<semaphore_mem>>) src(%arg14 : memref<200x128xf32, #tpu.memory_space<vmem>>) dst(%dma_wait3A_359 : memref<200x128xf32, #tpu.memory_space<hbm>>)
        %mul3A_360 = arith.constant 200 : i32
        %mul3A_361 = arith.muli %mul3A_2, %mul3A_360 : i32
        %dma_wait3A_362 = tpu.memref_slice %arg2[%mul3A_361] : memref<819200xi32, #tpu.memory_space<hbm>> -> memref<200xi32, #tpu.memory_space<hbm>>
        %dma_wait3A_363 = tpu.memref_slice %arg2[%mul3A_361] : memref<819200xi32, #tpu.memory_space<hbm>> -> memref<200xi32, #tpu.memory_space<hbm>>
        tpu.wait_dma2 semaphore(%arg18 : memref<!tpu.dma_semaphore, #tpu.memory_space<semaphore_mem>>) src(%dma_wait3A_363 : memref<200xi32, #tpu.memory_space<hbm>>) dst(%arg6 : memref<200xi32, #tpu.memory_space<vmem>>)
        %dma_start3A_364 = arith.constant 0 : i32
        %dma_start3A_365 = arith.constant 0 : i32
        %dma_start3A_366 = tpu.memref_slice %arg3[%dma_start3A_364, %dma_start3A_365] : memref<1000000x128xf32, #tpu.memory_space<hbm>> -> memref<1000000x128xf32, #tpu.memory_space<hbm>>
        tpu.enqueue_indirect_dma source(%dma_start3A_366 : memref<1000000x128xf32, #tpu.memory_space<hbm>>) target(%arg14 : memref<200x128xf32, #tpu.memory_space<vmem>>) offsets(%arg6 : memref<200xi32, #tpu.memory_space<vmem>>) semaphore(%arg26 : memref<!tpu.dma_semaphore, #tpu.memory_space<semaphore_mem>>)
      } else {
      }
      %mul3A_292 = arith.constant 8 : i32
      %mul3A_293 = arith.muli %scan3A_114, %mul3A_292 : i32
      %add3A_294 = arith.constant 6 : i32
      %add3A_295 = arith.addi %mul3A_293, %add3A_294 : i32
      %dma_wait3A_296 = arith.constant 0 : i32
      %dma_wait3A_297 = arith.constant 0 : i32
      %dma_wait3A_298 = tpu.memref_slice %arg3[%dma_wait3A_296, %dma_wait3A_297] : memref<1000000x128xf32, #tpu.memory_space<hbm>> -> memref<1000000x128xf32, #tpu.memory_space<hbm>>
      tpu.wait_indirect_dma semaphore(%arg27 : memref<!tpu.dma_semaphore, #tpu.memory_space<semaphore_mem>>) src(%dma_wait3A_298 : memref<1000000x128xf32, #tpu.memory_space<hbm>>) dst(%arg15 : memref<200x128xf32, #tpu.memory_space<vmem>>)
      %add3A_299 = arith.addi %mul3A_2, %add3A_295 : i32
      %dma_start3A_300 = arith.constant 0 : i32
      %dma_start3A_301 = arith.constant 0 : i32
      %dma_start3A_302 = tpu.memref_slice %arg4[%add3A_299, %dma_start3A_300, %dma_start3A_301] : memref<4096x200x128xf32, #tpu.memory_space<hbm>> -> memref<1x200x128xf32, #tpu.memory_space<hbm>>
      %dma_start3A_303 = tpu.memref_squeeze %dma_start3A_302 : memref<1x200x128xf32, #tpu.memory_space<hbm>> -> memref<200x128xf32, #tpu.memory_space<hbm>>
      %dma_start3A_304 = arith.constant 0 : i32
      %dma_start3A_305 = arith.constant 0 : i32
      %dma_start3A_306 = tpu.memref_slice %arg4[%add3A_299, %dma_start3A_304, %dma_start3A_305] : memref<4096x200x128xf32, #tpu.memory_space<hbm>> -> memref<1x200x128xf32, #tpu.memory_space<hbm>>
      %dma_start3A_307 = tpu.memref_squeeze %dma_start3A_306 : memref<1x200x128xf32, #tpu.memory_space<hbm>> -> memref<200x128xf32, #tpu.memory_space<hbm>>
      tpu.enqueue_dma source(%arg15 : memref<200x128xf32, #tpu.memory_space<vmem>>) target(%dma_start3A_307 : memref<200x128xf32, #tpu.memory_space<hbm>>) target_semaphore(%arg31 : memref<!tpu.dma_semaphore, #tpu.memory_space<semaphore_mem>>)
      %add3A_308 = arith.constant 8 : i32
      %add3A_309 = arith.addi %add3A_295, %add3A_308 : i32
      %lt3A_310 = arith.constant 128 : i32
      %lt3A_311 = arith.cmpi slt, %add3A_309, %lt3A_310 : i32
      %convert_element_type3A_312 = arith.extui %lt3A_311 : i1 to i32
      %cond3A_313 = arith.constant 0 : i32
      %cond3A_314 = arith.cmpi ne, %convert_element_type3A_312, %cond3A_313 : i32
      scf.if %cond3A_314 {
        %add3A_352 = arith.constant 8 : i32
        %add3A_353 = arith.addi %add3A_295, %add3A_352 : i32
        %add3A_354 = arith.addi %mul3A_2, %add3A_353 : i32
        %mul3A_355 = arith.constant 200 : i32
        %mul3A_356 = arith.muli %add3A_354, %mul3A_355 : i32
        %dma_start3A_357 = tpu.memref_slice %arg2[%mul3A_356] : memref<819200xi32, #tpu.memory_space<hbm>> -> memref<200xi32, #tpu.memory_space<hbm>>
        %dma_start3A_358 = tpu.memref_slice %arg2[%mul3A_356] : memref<819200xi32, #tpu.memory_space<hbm>> -> memref<200xi32, #tpu.memory_space<hbm>>
        tpu.enqueue_dma source(%dma_start3A_358 : memref<200xi32, #tpu.memory_space<hbm>>) target(%arg11 : memref<200xi32, #tpu.memory_space<vmem>>) target_semaphore(%arg23 : memref<!tpu.dma_semaphore, #tpu.memory_space<semaphore_mem>>)
      } else {
      }
      %add3A_315 = arith.constant 4 : i32
      %add3A_316 = arith.addi %add3A_295, %add3A_315 : i32
      %lt3A_317 = arith.constant 128 : i32
      %lt3A_318 = arith.cmpi slt, %add3A_316, %lt3A_317 : i32
      %convert_element_type3A_319 = arith.extui %lt3A_318 : i1 to i32
      %cond3A_320 = arith.constant 0 : i32
      %cond3A_321 = arith.cmpi ne, %convert_element_type3A_319, %cond3A_320 : i32
      scf.if %cond3A_321 {
        %dma_wait3A_352 = arith.constant 0 : i32
        %dma_wait3A_353 = arith.constant 0 : i32
        %dma_wait3A_354 = tpu.memref_slice %arg4[%mul3A_2, %dma_wait3A_352, %dma_wait3A_353] : memref<4096x200x128xf32, #tpu.memory_space<hbm>> -> memref<1x200x128xf32, #tpu.memory_space<hbm>>
        %dma_wait3A_355 = tpu.memref_squeeze %dma_wait3A_354 : memref<1x200x128xf32, #tpu.memory_space<hbm>> -> memref<200x128xf32, #tpu.memory_space<hbm>>
        %dma_wait3A_356 = arith.constant 0 : i32
        %dma_wait3A_357 = arith.constant 0 : i32
        %dma_wait3A_358 = tpu.memref_slice %arg4[%mul3A_2, %dma_wait3A_356, %dma_wait3A_357] : memref<4096x200x128xf32, #tpu.memory_space<hbm>> -> memref<1x200x128xf32, #tpu.memory_space<hbm>>
        %dma_wait3A_359 = tpu.memref_squeeze %dma_wait3A_358 : memref<1x200x128xf32, #tpu.memory_space<hbm>> -> memref<200x128xf32, #tpu.memory_space<hbm>>
        tpu.wait_dma2 semaphore(%arg31 : memref<!tpu.dma_semaphore, #tpu.memory_space<semaphore_mem>>) src(%arg15 : memref<200x128xf32, #tpu.memory_space<vmem>>) dst(%dma_wait3A_359 : memref<200x128xf32, #tpu.memory_space<hbm>>)
        %mul3A_360 = arith.constant 200 : i32
        %mul3A_361 = arith.muli %mul3A_2, %mul3A_360 : i32
        %dma_wait3A_362 = tpu.memref_slice %arg2[%mul3A_361] : memref<819200xi32, #tpu.memory_space<hbm>> -> memref<200xi32, #tpu.memory_space<hbm>>
        %dma_wait3A_363 = tpu.memref_slice %arg2[%mul3A_361] : memref<819200xi32, #tpu.memory_space<hbm>> -> memref<200xi32, #tpu.memory_space<hbm>>
        tpu.wait_dma2 semaphore(%arg19 : memref<!tpu.dma_semaphore, #tpu.memory_space<semaphore_mem>>) src(%dma_wait3A_363 : memref<200xi32, #tpu.memory_space<hbm>>) dst(%arg7 : memref<200xi32, #tpu.memory_space<vmem>>)
        %dma_start3A_364 = arith.constant 0 : i32
        %dma_start3A_365 = arith.constant 0 : i32
        %dma_start3A_366 = tpu.memref_slice %arg3[%dma_start3A_364, %dma_start3A_365] : memref<1000000x128xf32, #tpu.memory_space<hbm>> -> memref<1000000x128xf32, #tpu.memory_space<hbm>>
        tpu.enqueue_indirect_dma source(%dma_start3A_366 : memref<1000000x128xf32, #tpu.memory_space<hbm>>) target(%arg15 : memref<200x128xf32, #tpu.memory_space<vmem>>) offsets(%arg7 : memref<200xi32, #tpu.memory_space<vmem>>) semaphore(%arg27 : memref<!tpu.dma_semaphore, #tpu.memory_space<semaphore_mem>>)
      } else {
      }
      %mul3A_322 = arith.constant 8 : i32
      %mul3A_323 = arith.muli %scan3A_114, %mul3A_322 : i32
      %add3A_324 = arith.constant 7 : i32
      %add3A_325 = arith.addi %mul3A_323, %add3A_324 : i32
      %dma_wait3A_326 = arith.constant 0 : i32
      %dma_wait3A_327 = arith.constant 0 : i32
      %dma_wait3A_328 = tpu.memref_slice %arg3[%dma_wait3A_326, %dma_wait3A_327] : memref<1000000x128xf32, #tpu.memory_space<hbm>> -> memref<1000000x128xf32, #tpu.memory_space<hbm>>
      tpu.wait_indirect_dma semaphore(%arg28 : memref<!tpu.dma_semaphore, #tpu.memory_space<semaphore_mem>>) src(%dma_wait3A_328 : memref<1000000x128xf32, #tpu.memory_space<hbm>>) dst(%arg16 : memref<200x128xf32, #tpu.memory_space<vmem>>)
      %add3A_329 = arith.addi %mul3A_2, %add3A_325 : i32
      %dma_start3A_330 = arith.constant 0 : i32
      %dma_start3A_331 = arith.constant 0 : i32
      %dma_start3A_332 = tpu.memref_slice %arg4[%add3A_329, %dma_start3A_330, %dma_start3A_331] : memref<4096x200x128xf32, #tpu.memory_space<hbm>> -> memref<1x200x128xf32, #tpu.memory_space<hbm>>
      %dma_start3A_333 = tpu.memref_squeeze %dma_start3A_332 : memref<1x200x128xf32, #tpu.memory_space<hbm>> -> memref<200x128xf32, #tpu.memory_space<hbm>>
      %dma_start3A_334 = arith.constant 0 : i32
      %dma_start3A_335 = arith.constant 0 : i32
      %dma_start3A_336 = tpu.memref_slice %arg4[%add3A_329, %dma_start3A_334, %dma_start3A_335] : memref<4096x200x128xf32, #tpu.memory_space<hbm>> -> memref<1x200x128xf32, #tpu.memory_space<hbm>>
      %dma_start3A_337 = tpu.memref_squeeze %dma_start3A_336 : memref<1x200x128xf32, #tpu.memory_space<hbm>> -> memref<200x128xf32, #tpu.memory_space<hbm>>
      tpu.enqueue_dma source(%arg16 : memref<200x128xf32, #tpu.memory_space<vmem>>) target(%dma_start3A_337 : memref<200x128xf32, #tpu.memory_space<hbm>>) target_semaphore(%arg32 : memref<!tpu.dma_semaphore, #tpu.memory_space<semaphore_mem>>)
      %add3A_338 = arith.constant 8 : i32
      %add3A_339 = arith.addi %add3A_325, %add3A_338 : i32
      %lt3A_340 = arith.constant 128 : i32
      %lt3A_341 = arith.cmpi slt, %add3A_339, %lt3A_340 : i32
      %convert_element_type3A_342 = arith.extui %lt3A_341 : i1 to i32
      %cond3A_343 = arith.constant 0 : i32
      %cond3A_344 = arith.cmpi ne, %convert_element_type3A_342, %cond3A_343 : i32
      scf.if %cond3A_344 {
        %add3A_352 = arith.constant 8 : i32
        %add3A_353 = arith.addi %add3A_325, %add3A_352 : i32
        %add3A_354 = arith.addi %mul3A_2, %add3A_353 : i32
        %mul3A_355 = arith.constant 200 : i32
        %mul3A_356 = arith.muli %add3A_354, %mul3A_355 : i32
        %dma_start3A_357 = tpu.memref_slice %arg2[%mul3A_356] : memref<819200xi32, #tpu.memory_space<hbm>> -> memref<200xi32, #tpu.memory_space<hbm>>
        %dma_start3A_358 = tpu.memref_slice %arg2[%mul3A_356] : memref<819200xi32, #tpu.memory_space<hbm>> -> memref<200xi32, #tpu.memory_space<hbm>>
        tpu.enqueue_dma source(%dma_start3A_358 : memref<200xi32, #tpu.memory_space<hbm>>) target(%arg12 : memref<200xi32, #tpu.memory_space<vmem>>) target_semaphore(%arg24 : memref<!tpu.dma_semaphore, #tpu.memory_space<semaphore_mem>>)
      } else {
      }
      %add3A_345 = arith.constant 4 : i32
      %add3A_346 = arith.addi %add3A_325, %add3A_345 : i32
      %lt3A_347 = arith.constant 128 : i32
      %lt3A_348 = arith.cmpi slt, %add3A_346, %lt3A_347 : i32
      %convert_element_type3A_349 = arith.extui %lt3A_348 : i1 to i32
      %cond3A_350 = arith.constant 0 : i32
      %cond3A_351 = arith.cmpi ne, %convert_element_type3A_349, %cond3A_350 : i32
      scf.if %cond3A_351 {
        %dma_wait3A_352 = arith.constant 0 : i32
        %dma_wait3A_353 = arith.constant 0 : i32
        %dma_wait3A_354 = tpu.memref_slice %arg4[%mul3A_2, %dma_wait3A_352, %dma_wait3A_353] : memref<4096x200x128xf32, #tpu.memory_space<hbm>> -> memref<1x200x128xf32, #tpu.memory_space<hbm>>
        %dma_wait3A_355 = tpu.memref_squeeze %dma_wait3A_354 : memref<1x200x128xf32, #tpu.memory_space<hbm>> -> memref<200x128xf32, #tpu.memory_space<hbm>>
        %dma_wait3A_356 = arith.constant 0 : i32
        %dma_wait3A_357 = arith.constant 0 : i32
        %dma_wait3A_358 = tpu.memref_slice %arg4[%mul3A_2, %dma_wait3A_356, %dma_wait3A_357] : memref<4096x200x128xf32, #tpu.memory_space<hbm>> -> memref<1x200x128xf32, #tpu.memory_space<hbm>>
        %dma_wait3A_359 = tpu.memref_squeeze %dma_wait3A_358 : memref<1x200x128xf32, #tpu.memory_space<hbm>> -> memref<200x128xf32, #tpu.memory_space<hbm>>
        tpu.wait_dma2 semaphore(%arg32 : memref<!tpu.dma_semaphore, #tpu.memory_space<semaphore_mem>>) src(%arg16 : memref<200x128xf32, #tpu.memory_space<vmem>>) dst(%dma_wait3A_359 : memref<200x128xf32, #tpu.memory_space<hbm>>)
        %mul3A_360 = arith.constant 200 : i32
        %mul3A_361 = arith.muli %mul3A_2, %mul3A_360 : i32
        %dma_wait3A_362 = tpu.memref_slice %arg2[%mul3A_361] : memref<819200xi32, #tpu.memory_space<hbm>> -> memref<200xi32, #tpu.memory_space<hbm>>
        %dma_wait3A_363 = tpu.memref_slice %arg2[%mul3A_361] : memref<819200xi32, #tpu.memory_space<hbm>> -> memref<200xi32, #tpu.memory_space<hbm>>
        tpu.wait_dma2 semaphore(%arg20 : memref<!tpu.dma_semaphore, #tpu.memory_space<semaphore_mem>>) src(%dma_wait3A_363 : memref<200xi32, #tpu.memory_space<hbm>>) dst(%arg8 : memref<200xi32, #tpu.memory_space<vmem>>)
        %dma_start3A_364 = arith.constant 0 : i32
        %dma_start3A_365 = arith.constant 0 : i32
        %dma_start3A_366 = tpu.memref_slice %arg3[%dma_start3A_364, %dma_start3A_365] : memref<1000000x128xf32, #tpu.memory_space<hbm>> -> memref<1000000x128xf32, #tpu.memory_space<hbm>>
        tpu.enqueue_indirect_dma source(%dma_start3A_366 : memref<1000000x128xf32, #tpu.memory_space<hbm>>) target(%arg16 : memref<200x128xf32, #tpu.memory_space<vmem>>) offsets(%arg8 : memref<200xi32, #tpu.memory_space<vmem>>) semaphore(%arg28 : memref<!tpu.dma_semaphore, #tpu.memory_space<semaphore_mem>>)
      } else {
      }
    }
    %scan3A_81 = arith.constant 16 : i32
    %dma_wait3A_82 = arith.constant 0 : i32
    %dma_wait3A_83 = arith.constant 0 : i32
    %dma_wait3A_84 = tpu.memref_slice %arg4[%mul3A_2, %dma_wait3A_82, %dma_wait3A_83] : memref<4096x200x128xf32, #tpu.memory_space<hbm>> -> memref<1x200x128xf32, #tpu.memory_space<hbm>>
    %dma_wait3A_85 = tpu.memref_squeeze %dma_wait3A_84 : memref<1x200x128xf32, #tpu.memory_space<hbm>> -> memref<200x128xf32, #tpu.memory_space<hbm>>
    %dma_wait3A_86 = arith.constant 0 : i32
    %dma_wait3A_87 = arith.constant 0 : i32
    %dma_wait3A_88 = tpu.memref_slice %arg4[%mul3A_2, %dma_wait3A_86, %dma_wait3A_87] : memref<4096x200x128xf32, #tpu.memory_space<hbm>> -> memref<1x200x128xf32, #tpu.memory_space<hbm>>
    %dma_wait3A_89 = tpu.memref_squeeze %dma_wait3A_88 : memref<1x200x128xf32, #tpu.memory_space<hbm>> -> memref<200x128xf32, #tpu.memory_space<hbm>>
    tpu.wait_dma2 semaphore(%arg29 : memref<!tpu.dma_semaphore, #tpu.memory_space<semaphore_mem>>) src(%arg13 : memref<200x128xf32, #tpu.memory_space<vmem>>) dst(%dma_wait3A_89 : memref<200x128xf32, #tpu.memory_space<hbm>>)
    %dma_wait3A_90 = arith.constant 0 : i32
    %dma_wait3A_91 = arith.constant 0 : i32
    %dma_wait3A_92 = tpu.memref_slice %arg4[%mul3A_2, %dma_wait3A_90, %dma_wait3A_91] : memref<4096x200x128xf32, #tpu.memory_space<hbm>> -> memref<1x200x128xf32, #tpu.memory_space<hbm>>
    %dma_wait3A_93 = tpu.memref_squeeze %dma_wait3A_92 : memref<1x200x128xf32, #tpu.memory_space<hbm>> -> memref<200x128xf32, #tpu.memory_space<hbm>>
    %dma_wait3A_94 = arith.constant 0 : i32
    %dma_wait3A_95 = arith.constant 0 : i32
    %dma_wait3A_96 = tpu.memref_slice %arg4[%mul3A_2, %dma_wait3A_94, %dma_wait3A_95] : memref<4096x200x128xf32, #tpu.memory_space<hbm>> -> memref<1x200x128xf32, #tpu.memory_space<hbm>>
    %dma_wait3A_97 = tpu.memref_squeeze %dma_wait3A_96 : memref<1x200x128xf32, #tpu.memory_space<hbm>> -> memref<200x128xf32, #tpu.memory_space<hbm>>
    tpu.wait_dma2 semaphore(%arg30 : memref<!tpu.dma_semaphore, #tpu.memory_space<semaphore_mem>>) src(%arg14 : memref<200x128xf32, #tpu.memory_space<vmem>>) dst(%dma_wait3A_97 : memref<200x128xf32, #tpu.memory_space<hbm>>)
    %dma_wait3A_98 = arith.constant 0 : i32
    %dma_wait3A_99 = arith.constant 0 : i32
    %dma_wait3A_100 = tpu.memref_slice %arg4[%mul3A_2, %dma_wait3A_98, %dma_wait3A_99] : memref<4096x200x128xf32, #tpu.memory_space<hbm>> -> memref<1x200x128xf32, #tpu.memory_space<hbm>>
    %dma_wait3A_101 = tpu.memref_squeeze %dma_wait3A_100 : memref<1x200x128xf32, #tpu.memory_space<hbm>> -> memref<200x128xf32, #tpu.memory_space<hbm>>
    %dma_wait3A_102 = arith.constant 0 : i32
    %dma_wait3A_103 = arith.constant 0 : i32
    %dma_wait3A_104 = tpu.memref_slice %arg4[%mul3A_2, %dma_wait3A_102, %dma_wait3A_103] : memref<4096x200x128xf32, #tpu.memory_space<hbm>> -> memref<1x200x128xf32, #tpu.memory_space<hbm>>
    %dma_wait3A_105 = tpu.memref_squeeze %dma_wait3A_104 : memref<1x200x128xf32, #tpu.memory_space<hbm>> -> memref<200x128xf32, #tpu.memory_space<hbm>>
    tpu.wait_dma2 semaphore(%arg31 : memref<!tpu.dma_semaphore, #tpu.memory_space<semaphore_mem>>) src(%arg15 : memref<200x128xf32, #tpu.memory_space<vmem>>) dst(%dma_wait3A_105 : memref<200x128xf32, #tpu.memory_space<hbm>>)
    %dma_wait3A_106 = arith.constant 0 : i32
    %dma_wait3A_107 = arith.constant 0 : i32
    %dma_wait3A_108 = tpu.memref_slice %arg4[%mul3A_2, %dma_wait3A_106, %dma_wait3A_107] : memref<4096x200x128xf32, #tpu.memory_space<hbm>> -> memref<1x200x128xf32, #tpu.memory_space<hbm>>
    %dma_wait3A_109 = tpu.memref_squeeze %dma_wait3A_108 : memref<1x200x128xf32, #tpu.memory_space<hbm>> -> memref<200x128xf32, #tpu.memory_space<hbm>>
    %dma_wait3A_110 = arith.constant 0 : i32
    %dma_wait3A_111 = arith.constant 0 : i32
    %dma_wait3A_112 = tpu.memref_slice %arg4[%mul3A_2, %dma_wait3A_110, %dma_wait3A_111] : memref<4096x200x128xf32, #tpu.memory_space<hbm>> -> memref<1x200x128xf32, #tpu.memory_space<hbm>>
    %dma_wait3A_113 = tpu.memref_squeeze %dma_wait3A_112 : memref<1x200x128xf32, #tpu.memory_space<hbm>> -> memref<200x128xf32, #tpu.memory_space<hbm>>
    tpu.wait_dma2 semaphore(%arg32 : memref<!tpu.dma_semaphore, #tpu.memory_space<semaphore_mem>>) src(%arg16 : memref<200x128xf32, #tpu.memory_space<vmem>>) dst(%dma_wait3A_113 : memref<200x128xf32, #tpu.memory_space<hbm>>)
    return
  }
}

module attributes {stable_mosaic.version = 14 : i64} {
  func.func @body(%arg0: i32, %arg1: memref<64x16384xf32, #tpu.memory_space<vmem>>, %arg2: memref<16384x128xf32, #tpu.memory_space<vmem>>) attributes {dimension_semantics = [#tpu.dimension_semantics<arbitrary>], iteration_bounds = array<i64: 62>, scalar_prefetch = 0 : i64, scratch_operands = 0 : i64, tpu.core_type = #tpu.core_type<tc>, window_params = [{transform_indices = @transform_0, window_bounds = array<i64: 64, 16384>}, {transform_indices = @transform_1, window_bounds = array<i64: 16384, 128>}]} {
    %get3A = arith.constant 0 : index
    %get3A_0 = arith.constant 0 : index
    %get3A_1 = vector.load %arg1[%get3A, %get3A_0] : memref<64x16384xf32, #tpu.memory_space<vmem>>, vector<64x16384xf32>
    %transpose3A = tpu.transpose %get3A_1, [1, 0] : vector<64x16384xf32> -> vector<16384x64xf32>
    %mul3A = arith.constant 8.000000e+00 : f32
    %mul3A_2 = vector.broadcast %mul3A : f32 to vector<16384x64xf32>
    %mul3A_3 = arith.mulf %transpose3A, %mul3A_2 : vector<16384x64xf32>
    %swap3A = arith.constant 0 : index
    %swap3A_4 = arith.constant 0 : index
    %swap3A_5 = vector.load %arg2[%swap3A, %swap3A_4] : memref<16384x128xf32, #tpu.memory_space<vmem>>, vector<16384x64xf32>
    tpu.vector_store %arg2[%swap3A, %swap3A_4], %mul3A_3 {strides = array<i32>} : memref<16384x128xf32, #tpu.memory_space<vmem>>, vector<16384x64xf32>,
    return
  }
  func.func @transform_0(%arg0: i32) -> (i32, i32) {
    %c0_i32 = arith.constant 0 : i32
    %c0_i32_0 = arith.constant 0 : i32
    return %c0_i32, %arg0 : i32, i32
  }
  func.func @transform_1(%arg0: i32) -> (i32, i32) {
    %c0_i32 = arith.constant 0 : i32
    %c0_i32_0 = arith.constant 0 : i32
    return %arg0, %c0_i32 : i32, i32
  }
}

</mosaic_0001>

<sc_bundles>
// kernel: kernel.4.cloned.1.call-start
scs
__scs_entry_jumppad:
0x0: {  	(pc) =	sbr.rel $0x88, $3  }
0x1: {  	(tag) =	ssettag $0x0;
	lr =	simm.s32 $0x1  }
0x2: {  	[smem:$0x3F9F] =	sst lr;
	_ =	strace $0xD0000000  }
0x3: {  	_ = 	snop  }
0x4: {  	_ = 	snop  }
0x5: {  	_ = 	snop  }
0x6: {  	_ = 	snop  }
0x7: {  	_ = 	snop  }
__scs_overlays_trampoline_lowered:
0x8: {  	[smem:$0x3FAE] =	sst s0  }
0x9: {  	[smem:$0x3FAF] =	sst s1  }
0xa: {  	[smem:$0x3FB0] =	sst s2  }
0xb: {  	[smem:$0x3FB1] =	sst s3  }
0xc: {  	[smem:$0x3FB2] =	sst s4  }
0xd: {  	[smem:$0x3FB3] =	sst s5  }
0xe: {  	[smem:$0x3FB4] =	sst s6  }
0xf: {  	[smem:$0x3FB5] =	sst s7  }
0x10: {  	[smem:$0x3FB6] =	sst s8  }
0x11: {  	[smem:$0x3FB7] =	sst s9;
	s0 =	simm.s32 @!p0 $0x0  }
0x12: {  	s1 =	sld [smem:$0x3F9D];
	s0 =	simm.s32 @p0 $0x1  }
0x13: {  	[smem:$0x3FB8] =	sst s0;
	s0 =	simm.s32 @!p1 $0x0  }
0x14: {  	s2 =	sld [smem:$0x3F9C];
	s0 =	simm.s32 @p1 $0x1  }
0x15: {  	[smem:$0x3FB9] =	sst s0;
	s0 =	simm.s32 @!p2 $0x0  }
0x16: {  	s3 =	sld [smem:$0x3FDB];
	s0 =	simm.s32 @p2 $0x1  }
0x17: {  	s4 =	simm.s32 $0x1BF5;
	[smem:$0x3FBB] =	sst s0  }
0x18: {  	s0 =	sld [smem:$0x3F9E];
	_ =	swait.ge [sflag:s4], $0x0  }
0x19: {  	s7 =	sld [smem:$0x3F9F]  }
0x1a: {  	s8 =	sadd.s32 $0xFFFFE003, lr  }
0x1b: {  	s9 =	sadd.s32 $0xFFFFFEF7, lr;
	s5 =	simm.s32 $0xFFFFFFFF;
	p2 =	slt.u32 s8, $0xFFFFF086  }
0x1c: {  	p1 =	slt.u32 s9, $0xF7A;
	s5 =	simm.s32 @!p2 $0x0  }
0x1d: {  	s5 =	simm.s32 @p1 $0x1;
	p0 =	seq.s32 s7, s2  }
0x1e: {  	s7 =	smul.u32 @!p0 $0xF7A, s2;
	p2 =	seq.s32 @!p0 s5, $0x0  }
0x1f: {  	s9 =	smul.u32 $0xF7A, s1;
	s8 =	simm.s32 @!p0 $0x1BF5;
	p2 =	por !p2, p0  }
0x20: {  	[sflag:s8] =	ssyncset.s32 @!p0 $0xFFFFF086;
	s6 =	sadd.s32 @!p0 s3, s7;
	s7 =	simm.s32 @!p0 $0x108  }
0x21: {  	s3 =	sadd.s32 s3, s9;
	s6 =	sadd.s32 @!p0 $0x88, s6;
	s7 =	simm.s32 @p2 $0x1082  }
0x22: {  	[simem:s7], [sflag:s8] =	dma.local @!p0 [hbm:s6], $0xF7A  }
0x23: {  	s9 =	sor.u32 $0xD0000000, s2;
	s6 =	simm.s32 $0x108;
	_ =	swait.ge @!p0 [sflag:s8], $0x0  }
0x24: {  	s3 =	sadd.s32 $0x88, s3;
	s6 =	simm.s32 @!p1 $0x1082;
	[sflag:s4] =	ssyncset.s32 $0xFFFFF086  }
0x25: {  	[simem:s6], [sflag:s4] =	dma.local [hbm:s3], $0xF7A  }
0x26: {  	[smem:$0x3F9F] =	sst s1;
	(tag) =	ssettag s2;
	_ =	strace s9  }
0x27: {  	s1 =	sld [smem:$0x3FAF]  }
0x28: {  	s2 =	sld [smem:$0x3FB0]  }
0x29: {  	s4 =	sld [smem:$0x3FB2]  }
0x2a: {  	p0 =	seq.s32 s5, $0x0;
	s5 =	sld [smem:$0x3FB3]  }
0x2b: {  	s6 =	sld [smem:$0x3FB4]  }
0x2c: {  	s7 =	sld [smem:$0x3FB5]  }
0x2d: {  	s3 =	simm.s32 $0x108;
	s8 =	sld [smem:$0x3FB6]  }
0x2e: {  	s3 =	simm.s32 @!p0 $0x1082;
	s9 =	sld [smem:$0x3FB7]  }
0x2f: {  	lr =	sadd.s32 s0, s3;
	s0 =	sld [smem:$0x3FAE]  }
0x30: {  	s3 =	sld [smem:$0x3FB1]  }
0x31: {  	[smem:$0x3FBA] =	sst s10  }
0x32: {  	s10 =	sld [smem:$0x3FB8];
	_ =	sdelay $0x3  }
0x33: {  	p0 =	seq.s32 s10, $0x1;
	s10 =	sld [smem:$0x3FBA];
	_ =	sdelay $0x3  }
0x34: {  	[smem:$0x3FBA] =	sst s10  }
0x35: {  	s10 =	sld [smem:$0x3FB9];
	_ =	sdelay $0x3  }
0x36: {  	p1 =	seq.s32 s10, $0x1;
	s10 =	sld [smem:$0x3FBA];
	_ =	sdelay $0x3  }
0x37: {  	[smem:$0x3FBA] =	sst s10  }
0x38: {  	s10 =	sld [smem:$0x3FBB]  }
0x39: {  	_ = 	snop;
	(pc) =	sbr.ind lr, $3  }
0x3a: {  	_ = 	snop  }
0x3b: {  	_ = 	snop  }
0x3c: {  	p2 =	seq.s32 s10, $0x1;
	s10 =	sld [smem:$0x3FBA]  }
0x3d: {  	_ =	shalt  }
0x3e: {  	_ =	shalt  }
0x3f: {  	_ =	shalt  }
0x40: {  	_ =	shalt  }
0x41: {  	_ =	shalt  }
0x42: {  	_ =	shalt  }
0x43: {  	_ =	shalt  }
0x44: {  	_ =	shalt  }
0x45: {  	_ =	shalt  }
0x46: {  	_ =	shalt  }
0x47: {  	_ =	shalt  }
0x48: {  	_ =	shalt  }
0x49: {  	_ =	shalt  }
0x4a: {  	_ =	shalt  }
0x4b: {  	_ =	shalt  }
0x4c: {  	_ =	shalt  }
0x4d: {  	_ =	shalt  }
0x4e: {  	_ =	shalt  }
0x4f: {  	_ =	shalt  }
0x50: {  	_ =	shalt  }
0x51: {  	_ =	shalt  }
0x52: {  	_ =	shalt  }
0x53: {  	_ =	shalt  }
0x54: {  	_ =	shalt  }
0x55: {  	_ =	shalt  }
0x56: {  	_ =	shalt  }
0x57: {  	_ =	shalt  }
0x58: {  	_ =	shalt  }
0x59: {  	_ =	shalt  }
0x5a: {  	_ =	shalt  }
0x5b: {  	_ =	shalt  }
0x5c: {  	_ =	shalt  }
0x5d: {  	_ =	shalt  }
0x5e: {  	_ =	shalt  }
0x5f: {  	_ =	shalt  }
0x60: {  	_ =	shalt  }
0x61: {  	_ =	shalt  }
0x62: {  	_ =	shalt  }
0x63: {  	_ =	shalt  }
0x64: {  	_ =	shalt  }
0x65: {  	_ =	shalt  }
0x66: {  	_ =	shalt  }
0x67: {  	_ =	shalt  }
0x68: {  	_ =	shalt  }
0x69: {  	_ =	shalt  }
0x6a: {  	_ =	shalt  }
0x6b: {  	_ =	shalt  }
0x6c: {  	_ =	shalt  }
0x6d: {  	_ =	shalt  }
0x6e: {  	_ =	shalt  }
0x6f: {  	_ =	shalt  }
0x70: {  	_ =	shalt  }
0x71: {  	_ =	shalt  }
0x72: {  	_ =	shalt  }
0x73: {  	_ =	shalt  }
0x74: {  	_ =	shalt  }
0x75: {  	_ =	shalt  }
0x76: {  	_ =	shalt  }
0x77: {  	_ =	shalt  }
0x78: {  	_ =	shalt  }
0x79: {  	_ =	shalt  }
0x7a: {  	_ =	shalt  }
0x7b: {  	_ =	shalt  }
0x7c: {  	_ =	shalt  }
0x7d: {  	_ =	shalt  }
0x7e: {  	_ =	shalt  }
0x7f: {  	_ =	shalt  }
0x80: {  	_ =	shalt  }
0x81: {  	_ =	shalt  }
0x82: {  	_ =	shalt  }
0x83: {  	_ =	shalt  }
0x84: {  	_ =	shalt  }
0x85: {  	_ =	shalt  }
0x86: {  	_ =	shalt  }
0x87: {  	_ =	shalt  }
.Lfunc_end0:
.L_simem_size_0:
called_computation.1_lowered:
.L_overlay_start_0:
0x88: {  	s2 =	sld [smem:$0x3FD9]  }
0x89: {  	s3 =	sld [smem:$0x3FFE];
	_ =	sdelay $0x1  }
0x8a: {  	s1 =	srdreg.scid  }
0x8b: {  	s0 =	sand.u32 $0x1, s1  }
0x8c: {  	s17 =	sshll.u32 s0, $0xA;
	s2 =	sadd.s32 s3, s2  }
0x8d: {  	s2 =	sadd.s32 s2, s17  }
0x8e: {  	[smem:$0x3FC6] =	sst s2  }
0x8f: {  	_ = 	snop  }
0x90: {  	s2 =	sld [smem:$0x3FD0];
	(tm) =	ssettm $0x1  }
0x91: {  	s18 =	sld [smem:$0x3FFB];
	_ =	sdelay $0x3  }
0x92: {  	_ =	strace s18  }
0x93: {  	s3 =	sld [smem:$0x3FFC];
	_ =	sdelay $0x3  }
0x94: {  	_ =	strace s3  }
0x95: {  	s3 =	sld [smem:$0x3FFD];
	_ =	sdelay $0x3  }
0x96: {  	_ =	strace s3  }
0x97: {  	_ =	strace $0x8FFFFFFF  }
0x98: {  	s19 =	sld [smem:$0x3FDB];
	_ =	sdelay $0x1  }
0x99: {  	s4 =	simm.s32 $_scs_section_size  }
0x9a: {  	s5 =	simm.s32 $_size__tile_overlayer_lowered;
	s6 =	simm.s32 $_tile_overlayer_lowered  }
0x9b: {  	s22 =	simm.s32 $0x1BFF;
	s21 =	sshll.u32 s6, $0x1;
	s3 =	sadd.s32 s4, s19  }
0x9c: {  	s7 =	simm.s32 $0x0;
	s20 =	sshll.u32 s5, $0x1;
	s5 =	sadd.s32 s21, s3  }
0x9d: {  	[timem:s7], [sflag:s22] =	dma.local [hbm:s5], s20  }
0x9e: {  	_ =	swait.ge [sflag:s22], s20  }
0x9f: {  	s4 =	ssub.s32 $0x0, s20;
	[sflag:s22] =	ssyncset.done $0x0  }
0xa0: {  	[sflag:s22] =	ssyncadd.s32 s4;
	_ =	sdelay $0x1  }
0xa1: {  	s23 =	simm.s32 $0x1B8B  }
0xa2: {  	_ =	swait.ge [sflag:s23], $0x1  }
0xa3: {  	[sflag:s23] =	ssyncset.done $0x0  }
0xa4: {  	s25 =	simm.s32 $0x1B8E;
	s24 =	sld [smem:$0x3FFE];
	[sflag:s23] =	ssyncadd.s32 $0xFFFFFFFF  }
0xa5: {  	s26 =	simm.s32 $execute0_lowered;
	[smem:$0x3FD2] =	sst s25  }
0xa6: {  	s5 =	sshll.u32 s26, $0x1;
	_ =	strace $0x80000046;
	[dreg:$0x1] =	wrdreg $0xFFFFFFFF  }
0xa7: {  	s28 =	simm.s32 $_size_execute0_lowered;
	s3 =	sadd.s32 s3, s5;
	[dreg:$0x0] =	wrdreg $0x0  }
0xa8: {  	s5 =	sshll.u32 s28, $0x1;
	[dreg:$0x2] =	wrdreg s3  }
0xa9: {  	[dreg:$0x3] =	wrdreg s5  }
0xaa: {  	[dreg:$0x4] =	wrdreg $0xC0  }
0xab: {  	_ =	task [dreg:s7], $0x5FFFF  }
0xac: {  	[dreg:$0x1] =	wrdreg $0xFFFFFFFF  }
0xad: {  	[dreg:$0x0] =	wrdreg $0x60  }
0xae: {  	[dreg:$0x2] =	wrdreg s2  }
0xaf: {  	[dreg:$0x3] =	wrdreg s24  }
0xb0: {  	[dreg:$0x4] =	wrdreg $0x9  }
0xb1: {  	_ =	task.clear_ibuf [dreg:s7], $0x5FFFF;
	_ =	strace $0x90000046  }
0xb2: {  	s29 =	simm.s32 $0x9;
	_ =	strace $0x80000048  }
0xb3: {  	_ =	swait.ge [sflag:s29], $0x1  }
0xb4: {  	[sflag:s29] =	ssyncadd.s32 $0xFFFFFFFF  }
0xb5: {  	_ =	strace $0x90000048  }
0xb6: {  	_ =	sfence  }
0xb7: {  	s30 =	sld [smem:$0x0];
	_ =	sdelay $0x2  }
0xb8: {  	s31 =	sshll.u32 s1, $0xD;
	s1 =	sshrl.u32 s1, $0x2  }
0xb9: {  	s3 =	sand.u32 $0x4000, s31;
	s1 =	sadd.s32 s1, s30  }
0xba: {  	s0 =	sor.u32 s3, s0;
	s1 =	sshll.u32 s1, $0x11  }
0xbb: {  	s0 =	sor.u32 s1, s0  }
0xbc: {  	s0 =	sadd.s32 $0x8F2B, s0  }
0xbd: {  	[sflag:s0] =	ssyncadd.remote.s32 $0x1  }
0xbe: {  	_ =	sfence.sel $0xFFFF  }
0xbf: {  	[dreg:$0x0] =	wrdreg $0xFFFFFFFF;
	(pc) =	sbr.abs _section_cstart, $3  }
0xc0: {  	[dreg:$0x1] =	wrdreg $0xFFFFFFFF  }
0xc1: {  	_ =	task.clear_ibuf [dreg:s7], $0x2FFFF;
	_ =	strace $0x9FFFFFFF  }
0xc2: {  	(tm) =	ssettm $0x7FFFFFFF  }
0xc3: {  	_ =	shalt  }
tec
execute0_lowered:
.L_overlay_start_1:
0x0: {  	(tag) =	ssettag $0x1  }
0x1: {  	s0 =	rddreg [dreg:$0x0]  }
0x2: {  	s1 =	rddreg [dreg:$0x1];
	s3 =	srdreg.scid  }
0x3: {  	s10 =	stileid.u32;
	s2 =	simm.s32 $0x0;
	s30 =	simm.s32 $0x800  }
0x4: {  	s31 =	simm.s32 $0xD000;
	s11 =	simm.s32 $0xB;
	s13 =	simm.s32 $0xF  }
0x5: {  	s14 =	simm.s32 $0x7;
	s4 =	sand.u32 $0x1, s3;
	s23 =	smul.u32 $0x1900, s10  }
0x6: {  	s16 =	sshll.u32 s10, $0x1;
	[smem:$0x7FF] =	sst s2;
	s26 =	smul.u32 $0xC8000, s10  }
0x7: {  	s3 =	sadd.s32 $0x800, s1;
	s1 =	sadd.s32 $0xF42C00, s1;
	s24 =	smul.u32 $0xC80, s4  }
0x8: {  	s5 =	sor.u32 s4, s16;
	s7 =	ssub.s32 $0x2, s4;
	s4 =	smul.u32 $0x64000, s4  }
0x9: {  	s10 =	simm.s32 $0x6;
	_ =	strace $0x80000047;
	s6 =	smul.u32 $0xC80, s5  }
0xa: {  	s16 =	simm.s32 $0x10;
	s8 =	sshrl.u32 s7, $0x1;
	s17 =	smul.u32 $0x6400, s5  }
0xb: {  	s5 =	smul.u32 $0x64000, s5;
	s29 =	sadd.s32 s26, s1;
	s26 =	simm.s32 $0x6C00  }
0xc: {  	s7 =	ssub.s32 s7, s8;
	s9 =	sadd.s32 s0, s6;
	s22 =	sshrl.u32 s17, $0x3  }
0xd: {  	s6 =	sadd.s32 $0x578, s17;
	s28 =	smax.u32 s7, $0x1;
	[dreg:$0x3] =	wrdreg s9  }
0xe: {  	s5 =	sadd.s32 s5, s1;
	s18 =	sadd.s32 $0x19, s9;
	[dreg:$0xd] =	wrdreg s28  }
0xf: {  	s1 =	simm.s32 $0x13400;
	s19 =	sadd.s32 $0x32, s9;
	[dreg:$0x4] =	wrdreg s18  }
0x10: {  	s7 =	simm.s32 $0x5;
	s20 =	sadd.s32 $0x4B, s9;
	[dreg:$0x5] =	wrdreg s19  }
0x11: {  	s17 =	simm.s32 $0xC;
	s21 =	sadd.s32 $0x64, s9;
	[dreg:$0x6] =	wrdreg s20  }
0x12: {  	s9 =	sadd.s32 $0x7D, s9;
	s8 =	sadd.s32 s0, s22;
	[dreg:$0x7] =	wrdreg s21  }
0x13: {  	s6 =	sshrl.u32 s6, $0x3;
	s25 =	sadd.s32 $0x61A80, s5;
	[dreg:$0x8] =	wrdreg s9  }
0x14: {  	s5 =	sadd.s32 $0x63380, s5;
	s22 =	simm.s32 $0x600;
	[dreg:$0xb] =	wrdreg s25  }
0x15: {  	s8 =	sadd.s32 $0x96, s8;
	s6 =	sadd.s32 s0, s6;
	[dreg:$0xc] =	wrdreg s5  }
.Ltmp0:
0x16: {  	s0 =	sadd.s32 s23, s0;
	s23 =	simm.s32 $0x700;
	(pc) =	sbr.rel .LBB2_1-.Ltmp0, $4  }
0x17: {  	s25 =	simm.s32 $0xC8;
	s5 =	simm.s32 $0x9;
	[dreg:$0x9] =	wrdreg s8  }
0x18: {  	s9 =	simm.s32 $0xE;
	[dreg:$0xa] =	wrdreg s6;
	s15 =	sadd.s32 s24, s0  }
0x19: {  	s0 =	sadd.s32 s4, s29;
	s6 =	simm.s32 $0xD;
	s8 =	simm.s32 $0xA  }
0x1a: {  	s4 =	simm.s32 $0x8;
	[dreg:$0xe] =	wrdreg s0;
	s0 =	simm.s32 $0x0  }
.LBB2_4:
0x1b: {  	_ =	swait.ge [sflag:s17], $0x6400  }
0x1c: {  	[sflag:s17] =	ssyncset.done $0x0  }
0x1d: {  	s12 =	rddreg [dreg:$0xc];
	[sflag:s17] =	ssyncadd.s32 $0xFFFF9C00  }
0x1e: {  	[hbm4b:s12+s2] =	stream.linear.scatter [tilespmem:s1], [sflag:$0x10], $0x6400, $0x38;
	[tilespmem:$0x19800] =	vst v63  }
0x1f: {  	_ =	swait.ge [sflag:s6], $0x6400  }
0x20: {  	[sflag:s6] =	ssyncset.done $0x0  }
0x21: {  	[sflag:s6] =	ssyncadd.s32 $0xFFFF9C00  }
0x22: {  	_ =	swait.ge [sflag:s9], $0x6400  }
0x23: {  	[sflag:s9] =	ssyncset.done $0x0  }
0x24: {  	[sflag:s9] =	ssyncadd.s32 $0xFFFF9C00  }
0x25: {  	_ =	swait.ge [sflag:s13], $0x6400  }
0x26: {  	[sflag:s13] =	ssyncset.done $0x0  }
0x27: {  	[sflag:s13] =	ssyncadd.s32 $0xFFFF9C00  }
0x28: {  	_ =	swait.ge [sflag:s16], $0x6400  }
0x29: {  	s0 =	rddreg [dreg:$0xf]  }
0x2a: {  	s29 =	rddreg [dreg:$0xd];
	s0 =	sadd.s32 $0x1, s0  }
0x2b: {  	p0 =	sne.s32 s0, s29  }
.Ltmp1:
0x2c: {  	_ = 	snop;
	(pc) =	sbr.rel @!p0 .LBB2_5-.Ltmp1, $3  }
0x2d: {  	_ =	sdelay $0x1  }
0x2e: {  	[sflag:s16] =	ssyncset.done $0x0  }
0x2f: {  	s22 =	simm.s32 $0x600;
	s23 =	simm.s32 $0x700;
	[sflag:s16] =	ssyncadd.s32 $0xFFFF9C00  }
.LBB2_1:
0x30: {  	[dreg:$0xf] =	wrdreg s0  }
0x31: {  	s12 =	rddreg [dreg:$0x3]  }
0x32: {  	[tilespmem:s2], [sflag:$0x1] =	stream.linear.gather [hbm4b:s12+s2], $0xC8, $0x38;
	[tilespmem:$0x19800] =	vst v63  }
0x33: {  	s21 =	rddreg [dreg:$0x4];
	s18 =	simm.s32 $0x100  }
0x34: {  	[tilespmem:s18], [sflag:$0x2] =	stream.linear.gather [hbm4b:s21+s2], $0xC8, $0x38;
	[tilespmem:$0x19800] =	vst v63  }
0x35: {  	s24 =	rddreg [dreg:$0x5];
	s19 =	simm.s32 $0x200  }
0x36: {  	[tilespmem:s19], [sflag:$0x3] =	stream.linear.gather [hbm4b:s24+s2], $0xC8, $0x38;
	[tilespmem:$0x19800] =	vst v63  }
0x37: {  	s29 =	rddreg [dreg:$0x6];
	s20 =	simm.s32 $0x300  }
0x38: {  	[tilespmem:s20], [sflag:$0x4] =	stream.linear.gather [hbm4b:s29+s2], $0xC8, $0x38;
	[tilespmem:$0x19800] =	vst v63  }
0x39: {  	s0 =	rddreg [dreg:$0x7];
	s21 =	simm.s32 $0x400  }
0x3a: {  	[tilespmem:s21], [sflag:$0x5] =	stream.linear.gather [hbm4b:s0+s2], $0xC8, $0x38;
	[tilespmem:$0x19800] =	vst v63  }
0x3b: {  	s24 =	simm.s32 $0x500;
	s21 =	rddreg [dreg:$0x8]  }
0x3c: {  	[tilespmem:s24], [sflag:$0x6] =	stream.linear.gather [hbm4b:s21+s2], $0xC8, $0x38;
	[tilespmem:$0x19800] =	vst v63  }
0x3d: {  	s29 =	rddreg [dreg:$0x9]  }
0x3e: {  	[tilespmem:s22], [sflag:$0x7] =	stream.linear.gather [hbm4b:s29+s2], $0xC8, $0x38;
	[tilespmem:$0x19800] =	vst v63  }
0x3f: {  	s0 =	rddreg [dreg:$0xa];
	s21 =	simm.s32 $0x1  }
0x40: {  	[tilespmem:s23], [sflag:$0x8] =	stream.linear.gather [hbm4b:s0+s2], $0xC8, $0x38;
	[tilespmem:$0x19800] =	vst v63  }
0x41: {  	_ =	swait.ge [sflag:s21], $0xC8  }
0x42: {  	[sflag:s21] =	ssyncset.done $0x0  }
0x43: {  	s24 =	simm.s32 $0x2;
	[sflag:s21] =	ssyncadd.s32 $0xFFFFFF38  }
0x44: {  	[tilespmem:s30], [sflag:$0x9] =	stream.indirect.gather [hbm4b:s3+s25], $0x80, s2, s25, $0xb8;
	[tilespmem:$0x19800] =	vst v63  }
0x45: {  	_ =	swait.ge [sflag:s24], $0xC8  }
0x46: {  	[sflag:s24] =	ssyncset.done $0x0  }
0x47: {  	s29 =	simm.s32 $0x3;
	[sflag:s24] =	ssyncadd.s32 $0xFFFFFF38  }
0x48: {  	[tilespmem:s26], [sflag:$0xA] =	stream.indirect.gather [hbm4b:s3+s25], $0x80, s18, s25, $0xb8;
	[tilespmem:$0x19800] =	vst v63  }
0x49: {  	_ =	swait.ge [sflag:s29], $0xC8  }
0x4a: {  	[sflag:s29] =	ssyncset.done $0x0  }
0x4b: {  	s30 =	simm.s32 $0x4;
	[sflag:s29] =	ssyncadd.s32 $0xFFFFFF38  }
0x4c: {  	[tilespmem:s31], [sflag:$0xB] =	stream.indirect.gather [hbm4b:s3+s25], $0x80, s19, s25, $0xb8;
	[tilespmem:$0x19800] =	vst v63  }
0x4d: {  	_ =	swait.ge [sflag:s30], $0xC8  }
0x4e: {  	[sflag:s30] =	ssyncset.done $0x0  }
0x4f: {  	s24 =	simm.s32 $0x0;
	s28 =	rddreg [dreg:$0xe];
	[sflag:s30] =	ssyncadd.s32 $0xFFFFFF38  }
0x50: {  	[tilespmem:s1], [sflag:$0xC] =	stream.indirect.gather [hbm4b:s3+s25], $0x80, s20, s25, $0xb8;
	[tilespmem:$0x19800] =	vst v63  }
.LBB2_2:
0x51: {  	_ =	swait.ge [sflag:s5], $0x6400  }
0x52: {  	p0 =	seq.s32 s24, $0xBB8;
	[sflag:s5] =	ssyncset.done $0x0  }
0x53: {  	s0 =	simm.s32 $0x800;
	s18 =	sadd.s32 @!p0 s24, s15;
	[sflag:s5] =	ssyncadd.s32 $0xFFFF9C00  }
0x54: {  	[hbm4b:s28+s2] =	stream.linear.scatter [tilespmem:s0], [sflag:$0xD], $0x6400, $0x38;
	[tilespmem:$0x19800] =	vst v63  }
0x55: {  	s19 =	simm.s32 @!p0 $0x0;
	s20 =	sadd.s32 @!p0 $0xC8, s18  }
0x56: {  	[tilespmem:s19], [sflag:$0x1] =	stream.linear.gather @!p0 [hbm4b:s20+s19], $0xC8, $0x38;
	[tilespmem:$0x19800] =	vst v63  }
0x57: {  	_ =	swait.ge [sflag:s6], $0x6400  }
0x58: {  	[sflag:s6] =	ssyncset.done $0x0  }
0x59: {  	[sflag:s6] =	ssyncadd.s32 $0xFFFF9C00  }
0x5a: {  	_ =	swait.ge [sflag:s7], $0xC8  }
0x5b: {  	[sflag:s7] =	ssyncset.done $0x0  }
0x5c: {  	s12 =	simm.s32 $0x400;
	[sflag:s7] =	ssyncadd.s32 $0xFFFFFF38  }
0x5d: {  	[tilespmem:s0], [sflag:$0x9] =	stream.indirect.gather [hbm4b:s3+s25], $0x80, s12, s25, $0xb8;
	[tilespmem:$0x19800] =	vst v63  }
0x5e: {  	_ =	swait.ge [sflag:s8], $0x6400  }
0x5f: {  	[sflag:s8] =	ssyncset.done $0x0  }
0x60: {  	s29 =	simm.s32 $0x6C00;
	s12 =	sadd.s32 $0xC80, s28;
	[sflag:s8] =	ssyncadd.s32 $0xFFFF9C00  }
0x61: {  	[hbm4b:s12+s2] =	stream.linear.scatter [tilespmem:s29], [sflag:$0xE], $0x6400, $0x38;
	[tilespmem:$0x19800] =	vst v63  }
0x62: {  	s21 =	sadd.s32 @!p0 $0xE1, s18;
	s20 =	simm.s32 @!p0 $0x100  }
0x63: {  	[tilespmem:s20], [sflag:$0x2] =	stream.linear.gather @!p0 [hbm4b:s21+s19], $0xC8, $0x38;
	[tilespmem:$0x19800] =	vst v63  }
0x64: {  	_ =	swait.ge [sflag:s9], $0x6400  }
0x65: {  	[sflag:s9] =	ssyncset.done $0x0  }
0x66: {  	[sflag:s9] =	ssyncadd.s32 $0xFFFF9C00  }
0x67: {  	_ =	swait.ge [sflag:s10], $0xC8  }
0x68: {  	[sflag:s10] =	ssyncset.done $0x0  }
0x69: {  	s21 =	simm.s32 $0x500;
	[sflag:s10] =	ssyncadd.s32 $0xFFFFFF38  }
0x6a: {  	[tilespmem:s29], [sflag:$0xA] =	stream.indirect.gather [hbm4b:s3+s25], $0x80, s21, s25, $0xb8;
	[tilespmem:$0x19800] =	vst v63  }
0x6b: {  	_ =	swait.ge [sflag:s11], $0x6400  }
0x6c: {  	[sflag:s11] =	ssyncset.done $0x0  }
0x6d: {  	s12 =	sadd.s32 $0x1900, s28;
	[sflag:s11] =	ssyncadd.s32 $0xFFFF9C00  }
0x6e: {  	[hbm4b:s12+s2] =	stream.linear.scatter [tilespmem:s31], [sflag:$0xF], $0x6400, $0x38;
	[tilespmem:$0x19800] =	vst v63  }
0x6f: {  	s21 =	sadd.s32 @!p0 $0xFA, s18;
	s12 =	simm.s32 @!p0 $0x200  }
0x70: {  	[tilespmem:s12], [sflag:$0x3] =	stream.linear.gather @!p0 [hbm4b:s21+s19], $0xC8, $0x38;
	[tilespmem:$0x19800] =	vst v63  }
0x71: {  	_ =	swait.ge [sflag:s13], $0x6400  }
0x72: {  	[sflag:s13] =	ssyncset.done $0x0  }
0x73: {  	[sflag:s13] =	ssyncadd.s32 $0xFFFF9C00  }
0x74: {  	_ =	swait.ge [sflag:s14], $0xC8  }
0x75: {  	[sflag:s14] =	ssyncset.done $0x0  }
0x76: {  	[sflag:s14] =	ssyncadd.s32 $0xFFFFFF38  }
0x77: {  	[tilespmem:s31], [sflag:$0xB] =	stream.indirect.gather [hbm4b:s3+s25], $0x80, s22, s25, $0xb8;
	[tilespmem:$0x19800] =	vst v63  }
0x78: {  	_ =	swait.ge [sflag:s17], $0x6400  }
0x79: {  	[sflag:s17] =	ssyncset.done $0x0  }
0x7a: {  	s22 =	sadd.s32 $0x2580, s28;
	[sflag:s17] =	ssyncadd.s32 $0xFFFF9C00  }
0x7b: {  	[hbm4b:s22+s2] =	stream.linear.scatter [tilespmem:s1], [sflag:$0x10], $0x6400, $0x38;
	[tilespmem:$0x19800] =	vst v63  }
0x7c: {  	s12 =	sadd.s32 @!p0 $0x113, s18;
	s21 =	simm.s32 @!p0 $0x300  }
0x7d: {  	[tilespmem:s21], [sflag:$0x4] =	stream.linear.gather @!p0 [hbm4b:s12+s19], $0xC8, $0x38;
	[tilespmem:$0x19800] =	vst v63  }
0x7e: {  	_ =	swait.ge [sflag:s16], $0x6400  }
0x7f: {  	[sflag:s16] =	ssyncset.done $0x0  }
0x80: {  	[sflag:s16] =	ssyncadd.s32 $0xFFFF9C00  }
0x81: {  	_ =	swait.ge [sflag:s4], $0xC8  }
0x82: {  	[sflag:s4] =	ssyncset.done $0x0  }
0x83: {  	[sflag:s4] =	ssyncadd.s32 $0xFFFFFF38  }
0x84: {  	[tilespmem:s1], [sflag:$0xC] =	stream.indirect.gather [hbm4b:s3+s25], $0x80, s23, s25, $0xb8;
	[tilespmem:$0x19800] =	vst v63  }
0x85: {  	_ =	swait.ge [sflag:s5], $0x6400  }
0x86: {  	[sflag:s5] =	ssyncset.done $0x0  }
0x87: {  	s21 =	sadd.s32 $0x3200, s28;
	s12 =	simm.s32 @p0 $0xA;
	[sflag:s5] =	ssyncadd.s32 $0xFFFF9C00  }
0x88: {  	[hbm4b:s21+s2] =	stream.linear.scatter [tilespmem:s0], [sflag:$0xD], $0x6400, $0x38;
	[tilespmem:$0x19800] =	vst v63  }
0x89: {  	_ =	swait.ge @p0 [sflag:s12], $0x6400  }
0x8a: {  	s21 =	simm.s32 @p0 $0x6C00;
	[sflag:s12] =	ssyncset.done @p0 $0x0  }
0x8b: {  	s22 =	rddreg [dreg:$0xb];
	[sflag:s12] =	ssyncadd.s32 @p0 $0xFFFF9C00;
	s12 =	simm.s32 @p0 $0x0  }
0x8c: {  	[hbm4b:s22+s12] =	stream.linear.scatter @p0 [tilespmem:s21], [sflag:$0xE], $0x6400, $0x38;
	[tilespmem:$0x19800] =	vst v63  }
0x8d: {  	s12 =	sadd.s32 @!p0 $0x12C, s18;
	s21 =	simm.s32 @!p0 $0x400  }
0x8e: {  	[tilespmem:s21], [sflag:$0x5] =	stream.linear.gather @!p0 [hbm4b:s12+s19], $0xC8, $0x38;
	[tilespmem:$0x19800] =	vst v63  }
0x8f: {  	s12 =	simm.s32 @!p0 $0xD  }
0x90: {  	_ =	swait.ge @!p0 [sflag:s12], $0x6400  }
0x91: {  	[sflag:s12] =	ssyncset.done @!p0 $0x0  }
0x92: {  	[sflag:s12] =	ssyncadd.s32 @!p0 $0xFFFF9C00;
	s12 =	simm.s32 @!p0 $0x1  }
0x93: {  	_ =	swait.ge @!p0 [sflag:s12], $0xC8  }
0x94: {  	[sflag:s12] =	ssyncset.done @!p0 $0x0  }
0x95: {  	s21 =	simm.s32 @!p0 $0x800;
	[sflag:s12] =	ssyncadd.s32 @!p0 $0xFFFFFF38;
	s12 =	simm.s32 @!p0 $0xC8  }
0x96: {  	[tilespmem:s21], [sflag:$0x9] =	stream.indirect.gather @!p0 [hbm4b:s3+s12], $0x80, s19, s12, $0xb8;
	[tilespmem:$0x19800] =	vst v63  }
0x97: {  	s21 =	simm.s32 @!p0 $0xA  }
0x98: {  	_ =	swait.ge @!p0 [sflag:s21], $0x6400  }
0x99: {  	[sflag:s21] =	ssyncset.done @!p0 $0x0  }
0x9a: {  	s22 =	simm.s32 @!p0 $0x6C00;
	[sflag:s21] =	ssyncadd.s32 @!p0 $0xFFFF9C00;
	s21 =	sadd.s32 @!p0 $0x3E80, s28  }
0x9b: {  	[hbm4b:s21+s19] =	stream.linear.scatter @!p0 [tilespmem:s22], [sflag:$0xE], $0x6400, $0x38;
	[tilespmem:$0x19800] =	vst v63  }
0x9c: {  	s18 =	sadd.s32 @!p0 $0x145, s18;
	s21 =	simm.s32 @!p0 $0x500  }
0x9d: {  	[tilespmem:s21], [sflag:$0x6] =	stream.linear.gather @!p0 [hbm4b:s18+s19], $0xC8, $0x38;
	[tilespmem:$0x19800] =	vst v63  }
0x9e: {  	s18 =	simm.s32 @!p0 $0xE  }
0x9f: {  	_ =	swait.ge @!p0 [sflag:s18], $0x6400  }
0xa0: {  	[sflag:s18] =	ssyncset.done @!p0 $0x0  }
0xa1: {  	[sflag:s18] =	ssyncadd.s32 @!p0 $0xFFFF9C00;
	s18 =	simm.s32 @!p0 $0x2  }
0xa2: {  	_ =	swait.ge @!p0 [sflag:s18], $0xC8  }
0xa3: {  	[sflag:s18] =	ssyncset.done @!p0 $0x0  }
0xa4: {  	[sflag:s18] =	ssyncadd.s32 @!p0 $0xFFFFFF38  }
0xa5: {  	[tilespmem:s22], [sflag:$0xA] =	stream.indirect.gather @!p0 [hbm4b:s3+s12], $0x80, s20, s12, $0xb8;
	[tilespmem:$0x19800] =	vst v63  }
.Ltmp2:
0xa6: {  	_ = 	snop;
	(pc) =	sbr.rel @p0 .LBB2_4-.Ltmp2, $4  }
0xa7: {  	s26 =	simm.s32 $0x6C00;
	_ =	swait.ge [sflag:s11], $0x6400  }
0xa8: {  	s30 =	simm.s32 $0x800;
	s29 =	simm.s32 $0x700;
	[sflag:s11] =	ssyncset.done $0x0  }
0xa9: {  	s23 =	simm.s32 $0x600;
	s22 =	sadd.s32 $0x4B00, s28;
	[sflag:s11] =	ssyncadd.s32 $0xFFFF9C00  }
0xaa: {  	[hbm4b:s22+s2] =	stream.linear.scatter [tilespmem:s31], [sflag:$0xF], $0x6400, $0x38;
	[tilespmem:$0x19800] =	vst v63  }
0xab: {  	s12 =	sadd.s32 s24, s15  }
0xac: {  	s18 =	sadd.s32 $0x15E, s12  }
0xad: {  	[tilespmem:s23], [sflag:$0x7] =	stream.linear.gather [hbm4b:s18+s2], $0xC8, $0x38;
	[tilespmem:$0x19800] =	vst v63  }
0xae: {  	_ =	swait.ge [sflag:s13], $0x6400  }
0xaf: {  	[sflag:s13] =	ssyncset.done $0x0  }
0xb0: {  	s0 =	simm.s32 $0x3;
	[sflag:s13] =	ssyncadd.s32 $0xFFFF9C00  }
0xb1: {  	_ =	swait.ge [sflag:s0], $0xC8  }
0xb2: {  	[sflag:s0] =	ssyncset.done $0x0  }
0xb3: {  	s23 =	simm.s32 $0x200;
	[sflag:s0] =	ssyncadd.s32 $0xFFFFFF38  }
0xb4: {  	[tilespmem:s31], [sflag:$0xB] =	stream.indirect.gather [hbm4b:s3+s25], $0x80, s23, s25, $0xb8;
	[tilespmem:$0x19800] =	vst v63  }
0xb5: {  	_ =	swait.ge [sflag:s17], $0x6400  }
0xb6: {  	[sflag:s17] =	ssyncset.done $0x0  }
0xb7: {  	s26 =	sadd.s32 $0x5780, s28;
	[sflag:s17] =	ssyncadd.s32 $0xFFFF9C00  }
0xb8: {  	[hbm4b:s26+s2] =	stream.linear.scatter [tilespmem:s1], [sflag:$0x10], $0x6400, $0x38;
	[tilespmem:$0x19800] =	vst v63  }
0xb9: {  	s12 =	sadd.s32 $0x177, s12  }
0xba: {  	[tilespmem:s29], [sflag:$0x8] =	stream.linear.gather [hbm4b:s12+s2], $0xC8, $0x38;
	[tilespmem:$0x19800] =	vst v63  }
0xbb: {  	_ =	swait.ge [sflag:s16], $0x6400  }
0xbc: {  	[sflag:s16] =	ssyncset.done $0x0  }
.Ltmp3:
0xbd: {  	s29 =	simm.s32 $0x4;
	[sflag:s16] =	ssyncadd.s32 $0xFFFF9C00;
	(pc) =	sbr.rel .LBB2_2-.Ltmp3, $4  }
0xbe: {  	s30 =	simm.s32 $0x300;
	_ =	swait.ge [sflag:s29], $0xC8  }
0xbf: {  	s24 =	sadd.s32 $0xC8, s24;
	s28 =	sadd.s32 $0x6400, s28;
	[sflag:s29] =	ssyncset.done $0x0  }
0xc0: {  	s22 =	simm.s32 $0x600;
	s23 =	simm.s32 $0x700;
	[sflag:s29] =	ssyncadd.s32 $0xFFFFFF38  }
0xc1: {  	[tilespmem:s1], [sflag:$0xC] =	stream.indirect.gather [hbm4b:s3+s25], $0x80, s30, s25, $0xb8;
	[tilespmem:$0x19800] =	vst v63  }
.LBB2_5:
0xc2: {  	_ =	sfence.sel $0x180000  }
0xc3: {  	[bflag:$0x0] =	sbarrier.arrive $0xFFFF  }
0xc4: {  	_ =	strace $0x90000047  }
0xc5: {  	s0 =	stileid.u32;
	[bflag:$0x2] =	sbarrier.arrive $0xFFFF  }
0xc6: {  	p0 =	sne.s32 s0, $0x0;
	s0 =	rddreg [dreg:$0x2]  }
0xc7: {  	s0 =	sadd.s32 @!p0 $0x100000, s0  }
0xc8: {  	[sflag:s0] =	ssyncadd.tile.s32 @!p0 $0x1;
	_ =	shalt  }
.Lfunc_end2:
_tile_overlayer_lowered:
.L_overlay_start_2:
0xc9: {  	(tag) =	ssettag $0x2  }
0xca: {  	s0 =	rddreg [dreg:$0x0];
	s2 =	stileid.u32  }
0xcb: {  	s1 =	rddreg [dreg:$0x1];
	p0 =	sne.s32 s2, $0x0  }
0xcc: {  	s3 =	rddreg [dreg:$0x2];
	[bflag:$0x3] =	sbarrier.arrive $0xFFFF;
	s2 =	simm.s32 @!p0 $0x1C11  }
0xcd: {  	[timem:s3], [sflag:s2] =	dma.local @!p0 [hbm:s0], s1  }
0xce: {  	s0 =	simm.s32 @!p0 $0x11  }
0xcf: {  	_ =	swait.ge @!p0 [sflag:s0], s1  }
0xd0: {  	s1 =	ssub.s32 @!p0 $0x0, s1;
	[sflag:s0] =	ssyncset.done @!p0 $0x0  }
0xd1: {  	[sflag:s0] =	ssyncadd.s32 @!p0 s1  }
0xd2: {  	[bflag:$0x3] =	sbarrier.arrive $0xFFFF  }
0xd3: {  	_ =	shalt  }

// kernel: sparse-core-data-format-call.cloned.1.call-start
scs
called_computation_lowered:
.L_overlay_start_0:
0x0: {  	s2 =	sld [smem:$0x3FD9]  }
0x1: {  	s3 =	sld [smem:$0x3FFE];
	_ =	sdelay $0x1  }
0x2: {  	s1 =	srdreg.scid  }
0x3: {  	s0 =	sand.u32 $0x1, s1  }
0x4: {  	s18 =	sshll.u32 s0, $0xA;
	s2 =	sadd.s32 s3, s2  }
0x5: {  	s2 =	sadd.s32 s2, s18  }
0x6: {  	[smem:$0x3FC6] =	sst s2  }
0x7: {  	_ = 	snop  }
0x8: {  	s2 =	sld [smem:$0x3FD0];
	(tm) =	ssettm $0x1  }
0x9: {  	s19 =	sld [smem:$0x3FFB];
	_ =	sdelay $0x3  }
0xa: {  	_ =	strace s19  }
0xb: {  	s3 =	sld [smem:$0x3FFC];
	_ =	sdelay $0x3  }
0xc: {  	_ =	strace s3  }
0xd: {  	s3 =	sld [smem:$0x3FFD];
	_ =	sdelay $0x3  }
0xe: {  	_ =	strace s3  }
0xf: {  	_ =	strace $0x8FFFFFFF  }
0x10: {  	s20 =	sld [smem:$0x3FDB];
	_ =	sdelay $0x1  }
0x11: {  	s4 =	simm.s32 $_scs_section_size  }
0x12: {  	s5 =	simm.s32 $_size__tile_overlayer_lowered;
	s6 =	simm.s32 $_tile_overlayer_lowered  }
0x13: {  	s23 =	simm.s32 $0x1BFF;
	s22 =	sshll.u32 s6, $0x1;
	s3 =	sadd.s32 s4, s20  }
0x14: {  	s7 =	simm.s32 $0x0;
	s21 =	sshll.u32 s5, $0x1;
	s5 =	sadd.s32 s22, s3  }
0x15: {  	[timem:s7], [sflag:s23] =	dma.local [hbm:s5], s21  }
0x16: {  	_ =	swait.ge [sflag:s23], s21  }
0x17: {  	s4 =	ssub.s32 $0x0, s21;
	[sflag:s23] =	ssyncset.done $0x0  }
0x18: {  	[sflag:s23] =	ssyncadd.s32 s4;
	_ =	sdelay $0x1  }
0x19: {  	s24 =	simm.s32 $0x1B8B  }
0x1a: {  	_ =	swait.ge [sflag:s24], $0x1  }
0x1b: {  	[sflag:s24] =	ssyncset.done $0x0  }
0x1c: {  	s26 =	simm.s32 $0x1B8E;
	s25 =	sld [smem:$0x3FFE];
	[sflag:s24] =	ssyncadd.s32 $0xFFFFFFFF  }
0x1d: {  	s27 =	simm.s32 $execute0_lowered;
	[smem:$0x3FD2] =	sst s26  }
0x1e: {  	s5 =	sshll.u32 s27, $0x1;
	_ =	strace $0x80000049;
	[dreg:$0x1] =	wrdreg $0xFFFFFFFF  }
0x1f: {  	s28 =	simm.s32 $_size_execute0_lowered;
	s3 =	sadd.s32 s3, s5;
	[dreg:$0x0] =	wrdreg $0x0  }
0x20: {  	s5 =	sshll.u32 s28, $0x1;
	[dreg:$0x2] =	wrdreg s3  }
0x21: {  	[dreg:$0x3] =	wrdreg s5  }
0x22: {  	[dreg:$0x4] =	wrdreg $0xC0  }
0x23: {  	_ =	task [dreg:s7], $0x5FFFF  }
0x24: {  	[dreg:$0x1] =	wrdreg $0xFFFFFFFF  }
0x25: {  	[dreg:$0x0] =	wrdreg $0x60  }
0x26: {  	[dreg:$0x2] =	wrdreg s25  }
0x27: {  	[dreg:$0x3] =	wrdreg s2  }
0x28: {  	[dreg:$0x4] =	wrdreg $0x9  }
0x29: {  	_ =	task.clear_ibuf [dreg:s7], $0x5FFFF;
	_ =	strace $0x90000049  }
0x2a: {  	s29 =	simm.s32 $0x9;
	_ =	strace $0x8000004B  }
0x2b: {  	_ =	swait.ge [sflag:s29], $0x1  }
0x2c: {  	[sflag:s29] =	ssyncadd.s32 $0xFFFFFFFF  }
0x2d: {  	_ =	strace $0x9000004B  }
0x2e: {  	_ =	sfence  }
0x2f: {  	s30 =	sld [smem:$0x0];
	_ =	sdelay $0x2  }
0x30: {  	s31 =	sshll.u32 s1, $0xD;
	s1 =	sshrl.u32 s1, $0x2  }
0x31: {  	s3 =	sand.u32 $0x4000, s31;
	s1 =	sadd.s32 s1, s30  }
0x32: {  	s0 =	sor.u32 s3, s0;
	s1 =	sshll.u32 s1, $0x11  }
0x33: {  	s0 =	sor.u32 s1, s0  }
0x34: {  	s0 =	sadd.s32 $0x8F2B, s0  }
0x35: {  	[sflag:s0] =	ssyncadd.remote.s32 $0x1  }
0x36: {  	_ =	sfence.sel $0xFFFF  }
0x37: {  	[dreg:$0x0] =	wrdreg $0xFFFFFFFF;
	(pc) =	sbr.abs _section_cstart, $3  }
0x38: {  	[dreg:$0x1] =	wrdreg $0xFFFFFFFF  }
0x39: {  	_ =	task.clear_ibuf [dreg:s7], $0x2FFFF;
	_ =	strace $0x9FFFFFFF  }
0x3a: {  	(tm) =	ssettm $0x7FFFFFFF  }
0x3b: {  	_ =	shalt  }
tec
execute0_lowered:
.L_overlay_start_1:
0x0: {  	(tag) =	ssettag $0x1  }
0x1: {  	s0 =	srdreg.scid  }
0x2: {  	s1 =	sshll.u32 s0, $0x4  }
0x3: {  	s0 =	stileid.u32;
	s1 =	sand.u32 $0x10, s1  }
0x4: {  	s1 =	sor.u32 s0, s1  }
0x5: {  	s6 =	rddreg [dreg:$0x0];
	s4 =	simm.s32 $0x1;
	s2 =	sshll.u32 s1, $0x7  }
0x6: {  	s7 =	simm.s32 $0x2;
	s12 =	simm.s32 $0x0;
	s1 =	ssub.s32 $0x1000, s2  }
0x7: {  	s8 =	simm.s32 $0x8000;
	s13 =	simm.s32 $0x0;
	s3 =	sand.u32 $0xF80, s1  }
0x8: {  	s9 =	simm.s32 $0x0;
	s5 =	sshrl.u32 s1, $0xC;
	p0 =	sne.s32 s3, $0x0  }
.Ltmp0:
0x9: {  	s1 =	rddreg [dreg:$0x2];
	s4 =	simm.s32 @!p0 $0x0;
	(pc) =	sbr.rel .LBB1_1-.Ltmp0, $4  }
0xa: {  	s11 =	simm.s32 $0x0;
	s3 =	rddreg [dreg:$0x1];
	s5 =	sadd.s32 s4, s5  }
0xb: {  	_ =	strace $0x8000004A;
	s4 =	simm.s32 $0x1;
	s5 =	smul.u32 $0xC8, s5  }
0xc: {  	s6 =	sadd.s32 $0xF42C00, s6;
	s10 =	smov.u32 s2;
	[sflag:s4] =	ssyncpa.u1 $0x0  }
0xd: {  	p0 =	por $0x0, $0x0;
	[sflag:s7] =	ssyncpa.u1 $0x0;
	s7 =	sor.u32 $0x1, s5  }
.LBB1_4:
0xe: {  	s16 =	sshll.u32 s13, $0x3;
	s17 =	sand.u32 $0x78, s13  }
0xf: {  	s30 =	sand.u32 $0x7E00, s13;
	s12 =	sshll.u32 s12, $0xF;
	s16 =	sand.u32 $0xC00, s16  }
0x10: {  	[tilespmem:s15+$0x810 ss:$0x81] =	vst.msk $0xffff, v2;
	s31 =	sand.u32 $0x7, s13;
	s16 =	sor.u32 s17, s16;
	s17 =	sadd.s32 s3, s30  }
0x11: {  	[tilespmem:s15+$0x1020 ss:$0x81] =	vst.msk $0xffff, v0;
	s13 =	sshll.u32 s31, $0x12;
	s12 =	sadd.s32 s12, s17;
	s16 =	sshrl.u32 s16, $0x3  }
0x12: {  	[tilespmem:s15+$0x0 ss:$0x81] =	vst.msk $0xffff, v1;
	s13 =	sor.u32 $0x400, s13;
	s12 =	sadd.s32 s16, s12  }
0x13: {  	[hbm4b:s12+s13] =	stream.strided.scatter [tilespmem:s14], [sflag:$0x2], $0x2000, s8, s13, $0x20;
	[tilespmem:$0x8080] =	vst v63  }
.LBB1_5:
0x14: {  	s14 =	sadd.s32 $0x1, s9  }
0x15: {  	s12 =	sadd.s32 $0x1000, s10;
	s16 =	smov.u32 s10;
	p2 =	sgt.s32 s14, $0xC7  }
0x16: {  	s16 =	smov.u32 @p2 s12  }
0x17: {  	s14 =	simm.s32 @p2 $0x0;
	p2 =	sgt.s32 s16, $0xFFF  }
0x18: {  	s16 =	smov.u32 @p2 s2;
	p2 =	sne.s32 s11, s7  }
.Ltmp1:
0x19: {  	p1 =	slt.u32 s11, $0x2;
	(pc) =	sbr.rel @!p2 .LBB1_6-.Ltmp1, $4  }
0x1a: {  	s15 =	simm.s32 @!p1 $0x2  }
0x1b: {  	s13 =	smov.u32 s10;
	p0 =	por !p0, !p0;
	_ =	swait.ge @!p1 [sflag:s15], $0x2000  }
0x1c: {  	s12 =	smov.u32 s9;
	[sflag:s15] =	ssyncset.done @!p1 $0x0;
	s9 =	smov.u32 s14  }
0x1d: {  	s11 =	sadd.s32 $0x1, s11;
	[sflag:s15] =	ssyncadd.s32 @!p1 $0xFFFFE000;
	s10 =	smov.u32 s16  }
.LBB1_1:
0x1e: {  	p1 =	sge.u32 s11, s5  }
0x1f: {  	s14 =	sand.u32 @!p1 $0x1FFFFFF, s9  }
0x20: {  	s15 =	smulhi.u32 @!p1 $0x147AE15, s14;
	_ =	sdelay $0x1  }
0x21: {  	s15 =	smul.u32 @!p1 $0xC8, s15  }
0x22: {  	s16 =	sxor.u32 @!p1 $0xFFFFFFFF, s11;
	s17 =	smul.u32 @!p1 $0xC80, s10  }
0x23: {  	s31 =	sadd.s32 $0xFFFFFFFF, s11;
	s16 =	sshll.u32 @!p1 s16, $0xD;
	s14 =	ssub.s32 @!p1 s14, s15  }
0x24: {  	s15 =	sand.u32 @!p1 $0x2000, s16;
	s16 =	sadd.s32 @!p1 s6, s17;
	s14 =	sshll.u32 @!p1 s14, $0x4  }
0x25: {  	s17 =	simm.s32 @!p1 $0x6400;
	s14 =	sadd.s32 @!p1 s14, s16;
	s16 =	simm.s32 @!p1 $0x40  }
0x26: {  	[tilespmem:s15], [sflag:$0x1] =	stream.strided.gather @!p1 [hbm4b:s14+s16], $0x2000, s17, s16, $0x38;
	[tilespmem:$0x8080] =	vst v63  }
0x27: {  	p1 =	sge.u32 s31, s5  }
.Ltmp2:
0x28: {  	_ = 	snop;
	(pc) =	sbr.rel @p1 .LBB1_5-.Ltmp2, $1  }
0x29: {  	_ =	sdelay $0x3  }
0x2a: {  	s14 =	simm.s32 $0x1  }
0x2b: {  	_ =	swait.ge [sflag:s4], $0x2000;
	s14 =	simm.s32 @!p0 $0x0  }
0x2c: {  	[sflag:s4] =	ssyncset.done $0x0;
	s15 =	sshll.u32 s14, $0xD  }
0x2d: {  	[sflag:s4] =	ssyncadd.s32 $0xFFFFE000;
	s18 =	sor.u32 $0x20, s15  }
0x2e: {  	s14 =	smul.u32 $0x8100, s14;
	v3 =	vld [tilespmem:s18+$0x10]  }
0x2f: {  	s30 =	sand.u32 $0x1, s11;
	v2 =	vld [tilespmem:s18+$0xFFFFFFF0]  }
0x30: {  	s15 =	smul.u32 $0x8100, s30;
	s14 =	sshrl.u32 s14, $0x2;
	v0 =	vld [tilespmem:s18+$0x0]  }
0x31: {  	v1 =	vld [tilespmem:s18+$0xFFFFFFE0];
	s16 =	sor.u32 $0x4000, s14  }
0x32: {  	s31 =	sshrl.u32 s15, $0x2;
	s15 =	sadd.s32 $0x0, s16  }
0x33: {  	s17 =	simm.s32 $0x4;
	s18 =	sadd.s32 $0x40, s18;
	s14 =	sor.u32 $0x4000, s31;
	[tilespmem:s15+$0x1830 ss:$0x81] =	vst.msk $0xffff, v3  }
.LBB1_3:
0x34: {  	v3 =	vld [tilespmem:s18+$0x10];
	p1 =	sne.s32 s17, $0x1FC;
	[tilespmem:s15+$0x810 ss:$0x81] =	vst.msk $0xffff, v2;
	s19 =	smov.u32 s17;
	s17 =	sadd.s32 $0x4, s17  }
.Ltmp3:
0x35: {  	v2 =	vld [tilespmem:s18+$0xFFFFFFF0];
	[tilespmem:s15+$0x1020 ss:$0x81] =	vst.msk $0xffff, v0;
	(pc) =	sbr.rel @p1 .LBB1_3-.Ltmp3, $4  }
0x36: {  	v0 =	vld [tilespmem:s18+$0x0];
	[tilespmem:s15+$0x0 ss:$0x81] =	vst.msk $0xffff, v1  }
0x37: {  	s15 =	sshra.s32 s19, $0x2;
	v1 =	vld [tilespmem:s18+$0xFFFFFFE0]  }
0x38: {  	s15 =	sadd.s32 s15, s16  }
0x39: {  	s18 =	sadd.s32 $0x40, s18;
	[tilespmem:s15+$0x1830 ss:$0x81] =	vst.msk $0xffff, v3  }
.Ltmp4:
0x3a: {  	_ = 	snop;
	(pc) =	sbr.rel .LBB1_4-.Ltmp4, $1  }
0x3b: {  	_ =	sdelay $0x3  }
.LBB1_6:
0x3c: {  	_ =	sfence.sel $0x180000  }
0x3d: {  	s2 =	simm.s32 $0x1;
	[bflag:$0x0] =	sbarrier.arrive $0xFFFF  }
0x3e: {  	s31 =	simm.s32 $0x2;
	[sflag:s2] =	ssyncpa.u1 $0x1  }
0x3f: {  	[sflag:s31] =	ssyncpa.u1 $0x1  }
0x40: {  	p0 =	sne.s32 s0, $0x0;
	_ =	strace $0x9000004A  }
0x41: {  	s0 =	sadd.s32 @!p0 $0x100000, s1;
	[bflag:$0x2] =	sbarrier.arrive $0xFFFF  }
0x42: {  	[sflag:s0] =	ssyncadd.tile.s32 @!p0 $0x1;
	_ =	shalt  }
.Lfunc_end1:
_tile_overlayer_lowered:
.L_overlay_start_2:
0x43: {  	(tag) =	ssettag $0x2  }
0x44: {  	s0 =	rddreg [dreg:$0x0];
	s2 =	stileid.u32  }
0x45: {  	s1 =	rddreg [dreg:$0x1];
	p0 =	sne.s32 s2, $0x0  }
0x46: {  	s3 =	rddreg [dreg:$0x2];
	[bflag:$0x3] =	sbarrier.arrive $0xFFFF;
	s2 =	simm.s32 @!p0 $0x1C01  }
0x47: {  	[timem:s3], [sflag:s2] =	dma.local @!p0 [hbm:s0], s1  }
0x48: {  	s0 =	simm.s32 @!p0 $0x1  }
0x49: {  	_ =	swait.ge @!p0 [sflag:s0], s1  }
0x4a: {  	s1 =	ssub.s32 @!p0 $0x0, s1;
	[sflag:s0] =	ssyncset.done @!p0 $0x0  }
0x4b: {  	[sflag:s0] =	ssyncadd.s32 @!p0 s1  }
0x4c: {  	[bflag:$0x3] =	sbarrier.arrive $0xFFFF  }
0x4d: {  	_ =	shalt  }

</sc_bundles>
